<compile_context>
chip_gen: v7x
topology: tpu7x:2x2x1
jax: 0.10.2.dev20260603
libtpu: 0.0.44.dev20260713+nightly
codegen_flags: <defaults>
</compile_context>

<pallas_src>
import functools

import jax
import jax.numpy as jnp
from jax import lax
from jax.experimental import pallas as pl
from jax.experimental.pallas import tpu as pltpu
from jax.experimental.pallas import tpu_sc as plsc

NC = 2
NS = 16
NW = NC * NS
CH = 64


def _sc_mesh():
    return plsc.VectorSubcoreMesh(
        core_axis_name="c", subcore_axis_name="s",
        num_cores=NC, num_subcores=NS)


def _make_sc_rows(nacc, nchunk, d):

    @functools.partial(
        pl.kernel,
        out_type=jax.ShapeDtypeStruct((NC, nacc, d), jnp.float32),
        mesh=_sc_mesh(),
        scratch_types=[
            pltpu.VMEM_SHARED((nacc, d), jnp.float32),
            pltpu.VMEM((1, CH), jnp.int32),
            pltpu.VMEM((1, CH), jnp.int32),
            pltpu.VMEM((CH, d), jnp.float32),
            pltpu.SemaphoreType.DMA,
        ],
    )
    def kern(rows_hbm, src_hbm, dst_hbm, zs_hbm, sp_hbm,
             s_acc, src_v, dst_v, rows_v, sem):
        c = lax.axis_index("c")
        s = lax.axis_index("s")
        w = s * NC + c

        @pl.when(s == 0)
        def _():
            pltpu.sync_copy(zs_hbm, s_acc)

        plsc.subcore_barrier()

        @pl.loop(0, nchunk)
        def body(j):
            ci = w * nchunk + j
            pltpu.sync_copy(src_hbm.at[ci], src_v)
            pltpu.sync_copy(dst_hbm.at[ci], dst_v)
            pltpu.async_copy(rows_hbm.at[src_v.at[0]], rows_v, sem).wait()
            pltpu.sync_copy(rows_v, s_acc.at[dst_v.at[0]], add=True)

        plsc.subcore_barrier()

        @pl.when(s == 0)
        def _():
            pltpu.sync_copy(s_acc, sp_hbm.at[c])

    return kern


def _make_sc_attr(nacc, nchunk, da2):

    @functools.partial(
        pl.kernel,
        out_type=jax.ShapeDtypeStruct((NC, nacc, da2), jnp.float32),
        mesh=_sc_mesh(),
        scratch_types=[
            pltpu.VMEM_SHARED((nacc, da2), jnp.float32),
            pltpu.VMEM((1, CH), jnp.int32),
            pltpu.VMEM((CH, da2), jnp.float32),
            pltpu.SemaphoreType.DMA,
        ],
    )
    def kern(ea_hbm, dst_hbm, zt_hbm, tp_hbm,
             t_acc, dst_v, ea_v, sem):
        c = lax.axis_index("c")
        s = lax.axis_index("s")
        w = s * NC + c

        @pl.when(s == 0)
        def _():
            pltpu.sync_copy(zt_hbm, t_acc)

        plsc.subcore_barrier()

        @pl.loop(0, nchunk)
        def body(j):
            ci = w * nchunk + j
            pltpu.sync_copy(dst_hbm.at[ci], dst_v)
            pltpu.sync_copy(ea_hbm.at[pl.ds(ci * CH, CH)], ea_v)
            pltpu.sync_copy(ea_v, t_acc.at[dst_v.at[0]], add=True)

        plsc.subcore_barrier()

        @pl.when(s == 0)
        def _():
            pltpu.sync_copy(t_acc, tp_hbm.at[c])

    return kern


def kernel(x, edge_index, edge_attr, W1, b1, W2, b2, gamma, beta):
    n, d = x.shape
    e, de = edge_attr.shape
    h = W1.shape[1]
    f32 = jnp.float32
    da2 = 128

    nchunk = -(-e // (NW * CH))
    e_pad = nchunk * CH * NW
    nacc = -(-(n + 1) // 128) * 128

    src = edge_index[0]
    dst = edge_index[1]
    pad = e_pad - e
    src_p = jnp.concatenate([src, jnp.zeros((pad,), jnp.int32)])
    dst_p = jnp.concatenate([dst, jnp.full((pad,), n, jnp.int32)])
    src_b = src_p.reshape(NW * nchunk, 1, CH)
    dst_b = dst_p.reshape(NW * nchunk, 1, CH)
    ea2 = jnp.concatenate(
        [edge_attr, jnp.ones((e, 1), f32), jnp.zeros((e, da2 - de - 1), f32)],
        axis=1)
    ea2 = jnp.concatenate([ea2, jnp.zeros((pad, da2), f32)], axis=0)

    z_s = jnp.zeros((nacc, d), f32)
    z_t = jnp.zeros((nacc, da2), f32)

    W1a, W1b, W1c = W1[:d], W1[d:2 * d], W1[2 * d:]
    W2a, W2b, W2c = W2[:h], W2[h:2 * h], W2[2 * h:]
    W1cx = jnp.concatenate(
        [W1c, b1[None, :], jnp.zeros((da2 - de - 1, h), f32)], axis=0)
    W2cx = jnp.concatenate(
        [W2c, b2[None, :], jnp.zeros((da2 - de - 1, h), f32)], axis=0)
    c1 = (W1c.sum(0) + b1)[None, :]
    c2 = (W2c.sum(0) + b2)[None, :]
    gamma2 = gamma[None, :]
    beta2 = beta[None, :]

    sp1 = _make_sc_rows(nacc, nchunk, d)(x, src_b, dst_b, z_s)
    tp = _make_sc_attr(nacc, nchunk, da2)(ea2, dst_b, z_t)

    nb = 5
    bn = n // nb
    assert bn * nb == n and bn % 8 == 0

    def tc1a(x_r, sp_r, tp_r, w1a_r, w1b_r, w1cx_r, c1_r,
             h1_r, st_r, acc_sum, acc_sq):
        i = pl.program_id(0)
        xb = x_r[...]
        sb = sp_r[0] + sp_r[1] + xb
        tb = tp_r[0] + tp_r[1]
        deg = tb[:, de:de + 1] + 1.0
        agg = (deg * jnp.dot(xb, w1a_r[...], preferred_element_type=f32)
               + jnp.dot(sb, w1b_r[...], preferred_element_type=f32)
               + jnp.dot(tb, w1cx_r[...], preferred_element_type=f32)
               + c1_r[...])
        h1 = jnp.maximum(agg, 0.0)
        h1_r[...] = h1

        @pl.when(i == 0)
        def _():
            acc_sum[...] = jnp.zeros_like(acc_sum)
            acc_sq[...] = jnp.zeros_like(acc_sq)

        acc_sum[...] += jnp.sum(h1, axis=0, keepdims=True)
        acc_sq[...] += jnp.sum(h1 * h1, axis=0, keepdims=True)

        @pl.when(i == nb - 1)
        def _():
            st_r[0:1, :] = acc_sum[...]
            st_r[1:2, :] = acc_sq[...]

    h1, stats = pl.pallas_call(
        tc1a,
        grid=(nb,),
        in_specs=[
            pl.BlockSpec((bn, d), lambda i: (i, 0)),
            pl.BlockSpec((NC, bn, d), lambda i: (0, i, 0)),
            pl.BlockSpec((NC, bn, da2), lambda i: (0, i, 0)),
            pl.BlockSpec((d, h), lambda i: (0, 0)),
            pl.BlockSpec((d, h), lambda i: (0, 0)),
            pl.BlockSpec((da2, h), lambda i: (0, 0)),
            pl.BlockSpec((1, h), lambda i: (0, 0)),
        ],
        out_specs=[
            pl.BlockSpec((bn, h), lambda i: (i, 0)),
            pl.BlockSpec((8, h), lambda i: (0, 0)),
        ],
        out_shape=[
            jax.ShapeDtypeStruct((n, h), f32),
            jax.ShapeDtypeStruct((8, h), f32),
        ],
        scratch_shapes=[
            pltpu.VMEM((1, h), f32),
            pltpu.VMEM((1, h), f32),
        ],
    )(x, sp1, tp, W1a, W1b, W1cx, c1)

    inv_n = 1.0 / n

    def tc1b(h1_r, st_r, tp_r, g_r, be_r, w2a_r, w2b_r, w2cx_r, c2_r,
             hb_r, p2_r):
        mean = st_r[0:1, :] * inv_n
        var = st_r[1:2, :] * inv_n - mean * mean
        scale = g_r[...] * lax.rsqrt(var + 1e-5)
        shift = be_r[...] - mean * scale
        hh = jnp.maximum(h1_r[...] * scale + shift, 0.0)
        tb = tp_r[0] + tp_r[1]
        deg = tb[:, de:de + 1] + 1.0
        hb = jnp.dot(hh, w2b_r[...], preferred_element_type=f32)
        hb_r[...] = hb
        p2_r[...] = (deg * jnp.dot(hh, w2a_r[...], preferred_element_type=f32)
                     + hb
                     + jnp.dot(tb, w2cx_r[...], preferred_element_type=f32)
                     + c2_r[...])

    hb, p2 = pl.pallas_call(
        tc1b,
        grid=(nb,),
        in_specs=[
            pl.BlockSpec((bn, h), lambda i: (i, 0)),
            pl.BlockSpec((8, h), lambda i: (0, 0)),
            pl.BlockSpec((NC, bn, da2), lambda i: (0, i, 0)),
            pl.BlockSpec((1, h), lambda i: (0, 0)),
            pl.BlockSpec((1, h), lambda i: (0, 0)),
            pl.BlockSpec((h, h), lambda i: (0, 0)),
            pl.BlockSpec((h, h), lambda i: (0, 0)),
            pl.BlockSpec((da2, h), lambda i: (0, 0)),
            pl.BlockSpec((1, h), lambda i: (0, 0)),
        ],
        out_specs=[
            pl.BlockSpec((bn, h), lambda i: (i, 0)),
            pl.BlockSpec((bn, h), lambda i: (i, 0)),
        ],
        out_shape=[
            jax.ShapeDtypeStruct((n, h), f32),
            jax.ShapeDtypeStruct((n, h), f32),
        ],
    )(h1, stats, tp, gamma2, beta2, W2a, W2b, W2cx, c2)

    sp2 = _make_sc_rows(nacc, nchunk, h)(hb, src_b, dst_b, z_s)

    def tc2(sp_r, p2_r, o_r):
        o_r[...] = jnp.maximum(sp_r[0] + sp_r[1] + p2_r[...], 0.0)

    out = pl.pallas_call(
        tc2,
        grid=(nb,),
        in_specs=[
            pl.BlockSpec((NC, bn, h), lambda i: (0, i, 0)),
            pl.BlockSpec((bn, h), lambda i: (i, 0)),
        ],
        out_specs=pl.BlockSpec((bn, h), lambda i: (i, 0)),
        out_shape=jax.ShapeDtypeStruct((n, h), f32),
    )(sp2, p2)
    return out

# --- scband reference (transcript-rebuilt; emitter-appended) ---
"""Pipeline reference for scband-model-with-edge-features-11467562680505 (READ-ONLY COPY).

The authoritative reference and input builder live on the scoring server;
editing this copy changes nothing except your own understanding.
"""

import jax, jax.numpy as jnp
import numpy as np

N = 10000
E = 320000
D = 128
DE = 16
H = 128


def setup_inputs(seed: int = 0) -> dict:
    key = jax.random.key(seed)
    ks = jax.random.split(key, 10)
    x = jax.random.normal(ks[0], (N, D), dtype=jnp.float32)
    edge_index = jax.random.randint(ks[1], (2, E), 0, N, dtype=jnp.int32)
    edge_attr = jax.random.normal(ks[2], (E, DE), dtype=jnp.float32)
    s1 = 1.0 / np.sqrt(2 * D + DE)
    W1 = jax.random.uniform(ks[3], (2 * D + DE, H), jnp.float32, -s1, s1)
    b1 = jax.random.uniform(ks[4], (H,), jnp.float32, -s1, s1)
    s2 = 1.0 / np.sqrt(2 * H + DE)
    W2 = jax.random.uniform(ks[5], (2 * H + DE, H), jnp.float32, -s2, s2)
    b2 = jax.random.uniform(ks[6], (H,), jnp.float32, -s2, s2)
    gamma = jnp.ones((H,), jnp.float32)
    beta = jnp.zeros((H,), jnp.float32)
    return {"x": x, "edge_index": edge_index, "edge_attr": edge_attr,
            "W1": W1, "b1": b1, "W2": W2, "b2": b2,
            "gamma": gamma, "beta": beta}


def _mp_layer(x, src, dst, ea, W, b):
    # PyG MessagePassing(aggr='add', flow='source_to_target'):
    # x_j = x[src] (source / row 0), x_i = x[dst] (target / row 1)
    x_i = jnp.take(x, dst, axis=0)
    x_j = jnp.take(x, src, axis=0)
    m = jnp.concatenate([x_i, x_j, ea], axis=1) @ W + b
    agg = jax.ops.segment_sum(m, dst, num_segments=x.shape[0])
    return jax.nn.relu(agg)


def reference(x, edge_index, edge_attr, W1, b1, W2, b2, gamma, beta):
    n = x.shape[0]
    # add_self_loops: append (i, i) edges, edge_attr filled with 1.0
    loop = jnp.arange(n, dtype=edge_index.dtype)
    src = jnp.concatenate([edge_index[0], loop])
    dst = jnp.concatenate([edge_index[1], loop])
    ea = jnp.concatenate(
        [edge_attr, jnp.ones((n, edge_attr.shape[1]), edge_attr.dtype)], axis=0)

    # layer 1 (not last): mp -> batchnorm (training stats) -> relu (dropout disabled)
    h = _mp_layer(x, src, dst, ea, W1, b1)
    mean = jnp.mean(h, axis=0)
    var = jnp.var(h, axis=0)
    h = (h - mean) / jnp.sqrt(var + 1e-5) * gamma + beta
    h = jax.nn.relu(h)

    # layer 2 (last): mp only (relu is inside the mp layer)
    out = _mp_layer(h, src, dst, ea, W2, b2)
    return out

if __name__ == "__main__":
    import jax
    _d = setup_inputs()
    print(jax.jit(kernel)(*tuple(_d.values())))

</pallas_src>

<mosaic_0001>
#map = affine_map<(d0, d1) -> (0, 0)>
#map1 = affine_map<(d0, d1) -> (0, 0, 0)>
module attributes {stable_mosaic.version = 14 : i64} {
  func.func @kern(%arg0: i32, %arg1: i32, %arg2: memref<10000x128xf32, #tpu.memory_space<hbm>>, %arg3: memref<5024x1x64xi32, #tpu.memory_space<hbm>>, %arg4: memref<5024x1x64xi32, #tpu.memory_space<hbm>>, %arg5: memref<10112x128xf32, #tpu.memory_space<hbm>>, %arg6: memref<2x10112x128xf32, #tpu.memory_space<hbm>>, %arg7: memref<10112x128xf32, #tpu.memory_space<vmem_shared>>, %arg8: memref<1x64xi32, #tpu.memory_space<vmem>>, %arg9: memref<1x64xi32, #tpu.memory_space<vmem>>, %arg10: memref<64x128xf32, #tpu.memory_space<vmem>>, %arg11: memref<!tpu.dma_semaphore, #tpu.memory_space<semaphore_mem>>) attributes {dimension_semantics = [#tpu.dimension_semantics<core_parallel>, #tpu.dimension_semantics<subcore_parallel>], iteration_bounds = array<i64: 2, 16>, scalar_prefetch = 0 : i64, scratch_operands = 5 : i64, tpu.core_type = #tpu.core_type<sc_vector_subcore>, window_params = [{transform_indices = #map}, {transform_indices = #map1}, {transform_indices = #map1}, {transform_indices = #map}, {transform_indices = #map1}]} {
    %mul3A = arith.constant 2 : i32
    %mul3A_0 = arith.muli %arg1, %mul3A : i32
    %add3A = arith.addi %mul3A_0, %arg0 : i32
    %eq3A = arith.constant 0 : i32
    %eq3A_1 = arith.cmpi eq, %arg1, %eq3A : i32
    %convert_element_type3A = arith.extui %eq3A_1 : i1 to i32
    %cond3A = arith.constant 0 : i32
    %cond3A_2 = arith.cmpi ne, %convert_element_type3A, %cond3A : i32
    scf.if %cond3A_2 {
      "tpu.region"() ({
        %run_scoped3A = tpu.sem_alloc : memref<!tpu.dma_semaphore, #tpu.memory_space<semaphore_mem>>
        tpu.enqueue_dma source(%arg5 : memref<10112x128xf32, #tpu.memory_space<hbm>>) target(%arg7 : memref<10112x128xf32, #tpu.memory_space<vmem_shared>>) target_semaphore(%run_scoped3A : memref<!tpu.dma_semaphore, #tpu.memory_space<semaphore_mem>>)
        tpu.wait_dma2 semaphore(%run_scoped3A : memref<!tpu.dma_semaphore, #tpu.memory_space<semaphore_mem>>) src(%arg5 : memref<10112x128xf32, #tpu.memory_space<hbm>>) dst(%arg7 : memref<10112x128xf32, #tpu.memory_space<vmem_shared>>)
        tpu.yield
      }) : () -> ()
    } else {
    }
    %barrier3A = arith.constant 0 : index
    tpu.barrier barrier_id(%barrier3A)
    %scan3A = arith.constant 0 : i32
    %scan3A_3 = arith.constant 157 : i32
    %scan3A_4 = arith.addi %scan3A, %scan3A_3 : i32
    %scan3A_5 = arith.constant 1 : i32
    scf.for %scan3A_13 = %scan3A to %scan3A_4 step %scan3A_5  : i32 {
      %mul3A_14 = arith.constant 1 : i32
      %mul3A_15 = arith.muli %scan3A_13, %mul3A_14 : i32
      %add3A_16 = arith.constant 0 : i32
      %add3A_17 = arith.addi %add3A_16, %mul3A_15 : i32
      %mul3A_18 = arith.constant 157 : i32
      %mul3A_19 = arith.muli %add3A, %mul3A_18 : i32
      %add3A_20 = arith.addi %mul3A_19, %add3A_17 : i32
      "tpu.region"() ({
        %run_scoped3A_33 = tpu.sem_alloc : memref<!tpu.dma_semaphore, #tpu.memory_space<semaphore_mem>>
        %dma_start3A_34 = arith.constant 0 : i32
        %dma_start3A_35 = arith.constant 0 : i32
        %dma_start3A_36 = tpu.memref_slice %arg3[%add3A_20, %dma_start3A_34, %dma_start3A_35] : memref<5024x1x64xi32, #tpu.memory_space<hbm>> -> memref<1x1x64xi32, #tpu.memory_space<hbm>>
        %dma_start3A_37 = tpu.memref_squeeze %dma_start3A_36 : memref<1x1x64xi32, #tpu.memory_space<hbm>> -> memref<1x64xi32, #tpu.memory_space<hbm>>
        %dma_start3A_38 = arith.constant 0 : i32
        %dma_start3A_39 = arith.constant 0 : i32
        %dma_start3A_40 = tpu.memref_slice %arg3[%add3A_20, %dma_start3A_38, %dma_start3A_39] : memref<5024x1x64xi32, #tpu.memory_space<hbm>> -> memref<1x1x64xi32, #tpu.memory_space<hbm>>
        %dma_start3A_41 = tpu.memref_squeeze %dma_start3A_40 : memref<1x1x64xi32, #tpu.memory_space<hbm>> -> memref<1x64xi32, #tpu.memory_space<hbm>>
        tpu.enqueue_dma source(%dma_start3A_41 : memref<1x64xi32, #tpu.memory_space<hbm>>) target(%arg8 : memref<1x64xi32, #tpu.memory_space<vmem>>) target_semaphore(%run_scoped3A_33 : memref<!tpu.dma_semaphore, #tpu.memory_space<semaphore_mem>>)
        %dma_wait3A_42 = arith.constant 0 : i32
        %dma_wait3A_43 = arith.constant 0 : i32
        %dma_wait3A_44 = tpu.memref_slice %arg3[%add3A_20, %dma_wait3A_42, %dma_wait3A_43] : memref<5024x1x64xi32, #tpu.memory_space<hbm>> -> memref<1x1x64xi32, #tpu.memory_space<hbm>>
        %dma_wait3A_45 = tpu.memref_squeeze %dma_wait3A_44 : memref<1x1x64xi32, #tpu.memory_space<hbm>> -> memref<1x64xi32, #tpu.memory_space<hbm>>
        %dma_wait3A_46 = arith.constant 0 : i32
        %dma_wait3A_47 = arith.constant 0 : i32
        %dma_wait3A_48 = tpu.memref_slice %arg3[%add3A_20, %dma_wait3A_46, %dma_wait3A_47] : memref<5024x1x64xi32, #tpu.memory_space<hbm>> -> memref<1x1x64xi32, #tpu.memory_space<hbm>>
        %dma_wait3A_49 = tpu.memref_squeeze %dma_wait3A_48 : memref<1x1x64xi32, #tpu.memory_space<hbm>> -> memref<1x64xi32, #tpu.memory_space<hbm>>
        tpu.wait_dma2 semaphore(%run_scoped3A_33 : memref<!tpu.dma_semaphore, #tpu.memory_space<semaphore_mem>>) src(%dma_wait3A_49 : memref<1x64xi32, #tpu.memory_space<hbm>>) dst(%arg8 : memref<1x64xi32, #tpu.memory_space<vmem>>)
        tpu.yield
      }) : () -> ()
      "tpu.region"() ({
        %run_scoped3A_33 = tpu.sem_alloc : memref<!tpu.dma_semaphore, #tpu.memory_space<semaphore_mem>>
        %dma_start3A_34 = arith.constant 0 : i32
        %dma_start3A_35 = arith.constant 0 : i32
        %dma_start3A_36 = tpu.memref_slice %arg4[%add3A_20, %dma_start3A_34, %dma_start3A_35] : memref<5024x1x64xi32, #tpu.memory_space<hbm>> -> memref<1x1x64xi32, #tpu.memory_space<hbm>>
        %dma_start3A_37 = tpu.memref_squeeze %dma_start3A_36 : memref<1x1x64xi32, #tpu.memory_space<hbm>> -> memref<1x64xi32, #tpu.memory_space<hbm>>
        %dma_start3A_38 = arith.constant 0 : i32
        %dma_start3A_39 = arith.constant 0 : i32
        %dma_start3A_40 = tpu.memref_slice %arg4[%add3A_20, %dma_start3A_38, %dma_start3A_39] : memref<5024x1x64xi32, #tpu.memory_space<hbm>> -> memref<1x1x64xi32, #tpu.memory_space<hbm>>
        %dma_start3A_41 = tpu.memref_squeeze %dma_start3A_40 : memref<1x1x64xi32, #tpu.memory_space<hbm>> -> memref<1x64xi32, #tpu.memory_space<hbm>>
        tpu.enqueue_dma source(%dma_start3A_41 : memref<1x64xi32, #tpu.memory_space<hbm>>) target(%arg9 : memref<1x64xi32, #tpu.memory_space<vmem>>) target_semaphore(%run_scoped3A_33 : memref<!tpu.dma_semaphore, #tpu.memory_space<semaphore_mem>>)
        %dma_wait3A_42 = arith.constant 0 : i32
        %dma_wait3A_43 = arith.constant 0 : i32
        %dma_wait3A_44 = tpu.memref_slice %arg4[%add3A_20, %dma_wait3A_42, %dma_wait3A_43] : memref<5024x1x64xi32, #tpu.memory_space<hbm>> -> memref<1x1x64xi32, #tpu.memory_space<hbm>>
        %dma_wait3A_45 = tpu.memref_squeeze %dma_wait3A_44 : memref<1x1x64xi32, #tpu.memory_space<hbm>> -> memref<1x64xi32, #tpu.memory_space<hbm>>
        %dma_wait3A_46 = arith.constant 0 : i32
        %dma_wait3A_47 = arith.constant 0 : i32
        %dma_wait3A_48 = tpu.memref_slice %arg4[%add3A_20, %dma_wait3A_46, %dma_wait3A_47] : memref<5024x1x64xi32, #tpu.memory_space<hbm>> -> memref<1x1x64xi32, #tpu.memory_space<hbm>>
        %dma_wait3A_49 = tpu.memref_squeeze %dma_wait3A_48 : memref<1x1x64xi32, #tpu.memory_space<hbm>> -> memref<1x64xi32, #tpu.memory_space<hbm>>
        tpu.wait_dma2 semaphore(%run_scoped3A_33 : memref<!tpu.dma_semaphore, #tpu.memory_space<semaphore_mem>>) src(%dma_wait3A_49 : memref<1x64xi32, #tpu.memory_space<hbm>>) dst(%arg9 : memref<1x64xi32, #tpu.memory_space<vmem>>)
        tpu.yield
      }) : () -> ()
      %dma_start3A = arith.constant 0 : i32
      %dma_start3A_21 = arith.constant 0 : i32
      %dma_start3A_22 = tpu.memref_slice %arg8[%dma_start3A, %dma_start3A_21] : memref<1x64xi32, #tpu.memory_space<vmem>> -> memref<1x64xi32, #tpu.memory_space<vmem>>
      %dma_start3A_23 = tpu.memref_squeeze %dma_start3A_22 : memref<1x64xi32, #tpu.memory_space<vmem>> -> memref<64xi32, #tpu.memory_space<vmem>>
      %dma_start3A_24 = arith.constant 0 : i32
      %dma_start3A_25 = arith.constant 0 : i32
      %dma_start3A_26 = tpu.memref_slice %arg2[%dma_start3A_24, %dma_start3A_25] : memref<10000x128xf32, #tpu.memory_space<hbm>> -> memref<10000x128xf32, #tpu.memory_space<hbm>>
      tpu.enqueue_indirect_dma source(%dma_start3A_26 : memref<10000x128xf32, #tpu.memory_space<hbm>>) target(%arg10 : memref<64x128xf32, #tpu.memory_space<vmem>>) offsets(%dma_start3A_23 : memref<64xi32, #tpu.memory_space<vmem>>) semaphore(%arg11 : memref<!tpu.dma_semaphore, #tpu.memory_space<semaphore_mem>>)
      %dma_wait3A = arith.constant 0 : i32
      %dma_wait3A_27 = arith.constant 0 : i32
      %dma_wait3A_28 = tpu.memref_slice %arg8[%dma_wait3A, %dma_wait3A_27] : memref<1x64xi32, #tpu.memory_space<vmem>> -> memref<1x64xi32, #tpu.memory_space<vmem>>
      %dma_wait3A_29 = tpu.memref_squeeze %dma_wait3A_28 : memref<1x64xi32, #tpu.memory_space<vmem>> -> memref<64xi32, #tpu.memory_space<vmem>>
      %dma_wait3A_30 = arith.constant 0 : i32
      %dma_wait3A_31 = arith.constant 0 : i32
      %dma_wait3A_32 = tpu.memref_slice %arg2[%dma_wait3A_30, %dma_wait3A_31] : memref<10000x128xf32, #tpu.memory_space<hbm>> -> memref<10000x128xf32, #tpu.memory_space<hbm>>
      tpu.wait_indirect_dma semaphore(%arg11 : memref<!tpu.dma_semaphore, #tpu.memory_space<semaphore_mem>>) src(%dma_wait3A_32 : memref<10000x128xf32, #tpu.memory_space<hbm>>) dst(%arg10 : memref<64x128xf32, #tpu.memory_space<vmem>>)
      %run_scoped3A = arith.constant 0 : i32
      "tpu.region"() ({
        %run_scoped3A_33 = tpu.sem_alloc : memref<!tpu.dma_semaphore, #tpu.memory_space<semaphore_mem>>
        %dma_start3A_34 = arith.constant 0 : i32
        %dma_start3A_35 = tpu.memref_slice %arg9[%run_scoped3A, %dma_start3A_34] : memref<1x64xi32, #tpu.memory_space<vmem>> -> memref<1x64xi32, #tpu.memory_space<vmem>>
        %dma_start3A_36 = tpu.memref_squeeze %dma_start3A_35 : memref<1x64xi32, #tpu.memory_space<vmem>> -> memref<64xi32, #tpu.memory_space<vmem>>
        %dma_start3A_37 = arith.constant 0 : i32
        %dma_start3A_38 = arith.constant 0 : i32
        %dma_start3A_39 = tpu.memref_slice %arg7[%dma_start3A_37, %dma_start3A_38] : memref<10112x128xf32, #tpu.memory_space<vmem_shared>> -> memref<10112x128xf32, #tpu.memory_space<vmem_shared>>
        tpu.enqueue_indirect_dma source(%arg10 : memref<64x128xf32, #tpu.memory_space<vmem>>) target(%dma_start3A_39 : memref<10112x128xf32, #tpu.memory_space<vmem_shared>>) offsets(%dma_start3A_36 : memref<64xi32, #tpu.memory_space<vmem>>) semaphore(%run_scoped3A_33 : memref<!tpu.dma_semaphore, #tpu.memory_space<semaphore_mem>>) {add = true}
        %dma_wait3A_40 = arith.constant 0 : i32
        %dma_wait3A_41 = tpu.memref_slice %arg9[%run_scoped3A, %dma_wait3A_40] : memref<1x64xi32, #tpu.memory_space<vmem>> -> memref<1x64xi32, #tpu.memory_space<vmem>>
        %dma_wait3A_42 = tpu.memref_squeeze %dma_wait3A_41 : memref<1x64xi32, #tpu.memory_space<vmem>> -> memref<64xi32, #tpu.memory_space<vmem>>
        %dma_wait3A_43 = arith.constant 0 : i32
        %dma_wait3A_44 = arith.constant 0 : i32
        %dma_wait3A_45 = tpu.memref_slice %arg7[%dma_wait3A_43, %dma_wait3A_44] : memref<10112x128xf32, #tpu.memory_space<vmem_shared>> -> memref<10112x128xf32, #tpu.memory_space<vmem_shared>>
        tpu.wait_indirect_dma semaphore(%run_scoped3A_33 : memref<!tpu.dma_semaphore, #tpu.memory_space<semaphore_mem>>) src(%arg10 : memref<64x128xf32, #tpu.memory_space<vmem>>) dst(%dma_wait3A_45 : memref<10112x128xf32, #tpu.memory_space<vmem_shared>>)
        tpu.yield
      }) : () -> ()
    }
    %scan3A_6 = arith.constant 157 : i32
    %barrier3A_7 = arith.constant 0 : index
    tpu.barrier barrier_id(%barrier3A_7)
    %eq3A_8 = arith.constant 0 : i32
    %eq3A_9 = arith.cmpi eq, %arg1, %eq3A_8 : i32
    %convert_element_type3A_10 = arith.extui %eq3A_9 : i1 to i32
    %cond3A_11 = arith.constant 0 : i32
    %cond3A_12 = arith.cmpi ne, %convert_element_type3A_10, %cond3A_11 : i32
    scf.if %cond3A_12 {
      "tpu.region"() ({
        %run_scoped3A = tpu.sem_alloc : memref<!tpu.dma_semaphore, #tpu.memory_space<semaphore_mem>>
        %dma_start3A = arith.constant 0 : i32
        %dma_start3A_13 = arith.constant 0 : i32
        %dma_start3A_14 = tpu.memref_slice %arg6[%arg0, %dma_start3A, %dma_start3A_13] : memref<2x10112x128xf32, #tpu.memory_space<hbm>> -> memref<1x10112x128xf32, #tpu.memory_space<hbm>>
        %dma_start3A_15 = tpu.memref_squeeze %dma_start3A_14 : memref<1x10112x128xf32, #tpu.memory_space<hbm>> -> memref<10112x128xf32, #tpu.memory_space<hbm>>
        tpu.enqueue_dma source(%arg7 : memref<10112x128xf32, #tpu.memory_space<vmem_shared>>) target(%dma_start3A_15 : memref<10112x128xf32, #tpu.memory_space<hbm>>) target_semaphore(%run_scoped3A : memref<!tpu.dma_semaphore, #tpu.memory_space<semaphore_mem>>)
        %dma_wait3A = arith.constant 0 : i32
        %dma_wait3A_16 = arith.constant 0 : i32
        %dma_wait3A_17 = tpu.memref_slice %arg6[%arg0, %dma_wait3A, %dma_wait3A_16] : memref<2x10112x128xf32, #tpu.memory_space<hbm>> -> memref<1x10112x128xf32, #tpu.memory_space<hbm>>
        %dma_wait3A_18 = tpu.memref_squeeze %dma_wait3A_17 : memref<1x10112x128xf32, #tpu.memory_space<hbm>> -> memref<10112x128xf32, #tpu.memory_space<hbm>>
        tpu.wait_dma2 semaphore(%run_scoped3A : memref<!tpu.dma_semaphore, #tpu.memory_space<semaphore_mem>>) src(%arg7 : memref<10112x128xf32, #tpu.memory_space<vmem_shared>>) dst(%dma_wait3A_18 : memref<10112x128xf32, #tpu.memory_space<hbm>>)
        tpu.yield
      }) : () -> ()
    } else {
    }
    return
  }
}

#map = affine_map<(d0, d1) -> (0, 0)>
#map1 = affine_map<(d0, d1) -> (0, 0, 0)>
module attributes {stable_mosaic.version = 14 : i64} {
  func.func @kern(%arg0: i32, %arg1: i32, %arg2: memref<321536x128xf32, #tpu.memory_space<hbm>>, %arg3: memref<5024x1x64xi32, #tpu.memory_space<hbm>>, %arg4: memref<10112x128xf32, #tpu.memory_space<hbm>>, %arg5: memref<2x10112x128xf32, #tpu.memory_space<hbm>>, %arg6: memref<10112x128xf32, #tpu.memory_space<vmem_shared>>, %arg7: memref<1x64xi32, #tpu.memory_space<vmem>>, %arg8: memref<64x128xf32, #tpu.memory_space<vmem>>, %arg9: memref<!tpu.dma_semaphore, #tpu.memory_space<semaphore_mem>>) attributes {dimension_semantics = [#tpu.dimension_semantics<core_parallel>, #tpu.dimension_semantics<subcore_parallel>], iteration_bounds = array<i64: 2, 16>, scalar_prefetch = 0 : i64, scratch_operands = 4 : i64, tpu.core_type = #tpu.core_type<sc_vector_subcore>, window_params = [{transform_indices = #map}, {transform_indices = #map1}, {transform_indices = #map}, {transform_indices = #map1}]} {
    %mul3A = arith.constant 2 : i32
    %mul3A_0 = arith.muli %arg1, %mul3A : i32
    %add3A = arith.addi %mul3A_0, %arg0 : i32
    %eq3A = arith.constant 0 : i32
    %eq3A_1 = arith.cmpi eq, %arg1, %eq3A : i32
    %convert_element_type3A = arith.extui %eq3A_1 : i1 to i32
    %cond3A = arith.constant 0 : i32
    %cond3A_2 = arith.cmpi ne, %convert_element_type3A, %cond3A : i32
    scf.if %cond3A_2 {
      "tpu.region"() ({
        %run_scoped3A = tpu.sem_alloc : memref<!tpu.dma_semaphore, #tpu.memory_space<semaphore_mem>>
        tpu.enqueue_dma source(%arg4 : memref<10112x128xf32, #tpu.memory_space<hbm>>) target(%arg6 : memref<10112x128xf32, #tpu.memory_space<vmem_shared>>) target_semaphore(%run_scoped3A : memref<!tpu.dma_semaphore, #tpu.memory_space<semaphore_mem>>)
        tpu.wait_dma2 semaphore(%run_scoped3A : memref<!tpu.dma_semaphore, #tpu.memory_space<semaphore_mem>>) src(%arg4 : memref<10112x128xf32, #tpu.memory_space<hbm>>) dst(%arg6 : memref<10112x128xf32, #tpu.memory_space<vmem_shared>>)
        tpu.yield
      }) : () -> ()
    } else {
    }
    %barrier3A = arith.constant 0 : index
    tpu.barrier barrier_id(%barrier3A)
    %scan3A = arith.constant 0 : i32
    %scan3A_3 = arith.constant 157 : i32
    %scan3A_4 = arith.addi %scan3A, %scan3A_3 : i32
    %scan3A_5 = arith.constant 1 : i32
    scf.for %scan3A_13 = %scan3A to %scan3A_4 step %scan3A_5  : i32 {
      %mul3A_14 = arith.constant 1 : i32
      %mul3A_15 = arith.muli %scan3A_13, %mul3A_14 : i32
      %add3A_16 = arith.constant 0 : i32
      %add3A_17 = arith.addi %add3A_16, %mul3A_15 : i32
      %mul3A_18 = arith.constant 157 : i32
      %mul3A_19 = arith.muli %add3A, %mul3A_18 : i32
      %add3A_20 = arith.addi %mul3A_19, %add3A_17 : i32
      "tpu.region"() ({
        %run_scoped3A_23 = tpu.sem_alloc : memref<!tpu.dma_semaphore, #tpu.memory_space<semaphore_mem>>
        %dma_start3A = arith.constant 0 : i32
        %dma_start3A_24 = arith.constant 0 : i32
        %dma_start3A_25 = tpu.memref_slice %arg3[%add3A_20, %dma_start3A, %dma_start3A_24] : memref<5024x1x64xi32, #tpu.memory_space<hbm>> -> memref<1x1x64xi32, #tpu.memory_space<hbm>>
        %dma_start3A_26 = tpu.memref_squeeze %dma_start3A_25 : memref<1x1x64xi32, #tpu.memory_space<hbm>> -> memref<1x64xi32, #tpu.memory_space<hbm>>
        %dma_start3A_27 = arith.constant 0 : i32
        %dma_start3A_28 = arith.constant 0 : i32
        %dma_start3A_29 = tpu.memref_slice %arg3[%add3A_20, %dma_start3A_27, %dma_start3A_28] : memref<5024x1x64xi32, #tpu.memory_space<hbm>> -> memref<1x1x64xi32, #tpu.memory_space<hbm>>
        %dma_start3A_30 = tpu.memref_squeeze %dma_start3A_29 : memref<1x1x64xi32, #tpu.memory_space<hbm>> -> memref<1x64xi32, #tpu.memory_space<hbm>>
        tpu.enqueue_dma source(%dma_start3A_30 : memref<1x64xi32, #tpu.memory_space<hbm>>) target(%arg7 : memref<1x64xi32, #tpu.memory_space<vmem>>) target_semaphore(%run_scoped3A_23 : memref<!tpu.dma_semaphore, #tpu.memory_space<semaphore_mem>>)
        %dma_wait3A = arith.constant 0 : i32
        %dma_wait3A_31 = arith.constant 0 : i32
        %dma_wait3A_32 = tpu.memref_slice %arg3[%add3A_20, %dma_wait3A, %dma_wait3A_31] : memref<5024x1x64xi32, #tpu.memory_space<hbm>> -> memref<1x1x64xi32, #tpu.memory_space<hbm>>
        %dma_wait3A_33 = tpu.memref_squeeze %dma_wait3A_32 : memref<1x1x64xi32, #tpu.memory_space<hbm>> -> memref<1x64xi32, #tpu.memory_space<hbm>>
        %dma_wait3A_34 = arith.constant 0 : i32
        %dma_wait3A_35 = arith.constant 0 : i32
        %dma_wait3A_36 = tpu.memref_slice %arg3[%add3A_20, %dma_wait3A_34, %dma_wait3A_35] : memref<5024x1x64xi32, #tpu.memory_space<hbm>> -> memref<1x1x64xi32, #tpu.memory_space<hbm>>
        %dma_wait3A_37 = tpu.memref_squeeze %dma_wait3A_36 : memref<1x1x64xi32, #tpu.memory_space<hbm>> -> memref<1x64xi32, #tpu.memory_space<hbm>>
        tpu.wait_dma2 semaphore(%run_scoped3A_23 : memref<!tpu.dma_semaphore, #tpu.memory_space<semaphore_mem>>) src(%dma_wait3A_37 : memref<1x64xi32, #tpu.memory_space<hbm>>) dst(%arg7 : memref<1x64xi32, #tpu.memory_space<vmem>>)
        tpu.yield
      }) : () -> ()
      %mul3A_21 = arith.constant 64 : i32
      %mul3A_22 = arith.muli %add3A_20, %mul3A_21 : i32
      "tpu.region"() ({
        %run_scoped3A_23 = tpu.sem_alloc : memref<!tpu.dma_semaphore, #tpu.memory_space<semaphore_mem>>
        %dma_start3A = arith.constant 0 : i32
        %dma_start3A_24 = tpu.memref_slice %arg2[%mul3A_22, %dma_start3A] : memref<321536x128xf32, #tpu.memory_space<hbm>> -> memref<64x128xf32, #tpu.memory_space<hbm>>
        %dma_start3A_25 = arith.constant 0 : i32
        %dma_start3A_26 = tpu.memref_slice %arg2[%mul3A_22, %dma_start3A_25] : memref<321536x128xf32, #tpu.memory_space<hbm>> -> memref<64x128xf32, #tpu.memory_space<hbm>>
        tpu.enqueue_dma source(%dma_start3A_26 : memref<64x128xf32, #tpu.memory_space<hbm>>) target(%arg8 : memref<64x128xf32, #tpu.memory_space<vmem>>) target_semaphore(%run_scoped3A_23 : memref<!tpu.dma_semaphore, #tpu.memory_space<semaphore_mem>>)
        %dma_wait3A = arith.constant 0 : i32
        %dma_wait3A_27 = tpu.memref_slice %arg2[%mul3A_22, %dma_wait3A] : memref<321536x128xf32, #tpu.memory_space<hbm>> -> memref<64x128xf32, #tpu.memory_space<hbm>>
        %dma_wait3A_28 = arith.constant 0 : i32
        %dma_wait3A_29 = tpu.memref_slice %arg2[%mul3A_22, %dma_wait3A_28] : memref<321536x128xf32, #tpu.memory_space<hbm>> -> memref<64x128xf32, #tpu.memory_space<hbm>>
        tpu.wait_dma2 semaphore(%run_scoped3A_23 : memref<!tpu.dma_semaphore, #tpu.memory_space<semaphore_mem>>) src(%dma_wait3A_29 : memref<64x128xf32, #tpu.memory_space<hbm>>) dst(%arg8 : memref<64x128xf32, #tpu.memory_space<vmem>>)
        tpu.yield
      }) : () -> ()
      %run_scoped3A = arith.constant 0 : i32
      "tpu.region"() ({
        %run_scoped3A_23 = tpu.sem_alloc : memref<!tpu.dma_semaphore, #tpu.memory_space<semaphore_mem>>
        %dma_start3A = arith.constant 0 : i32
        %dma_start3A_24 = tpu.memref_slice %arg7[%run_scoped3A, %dma_start3A] : memref<1x64xi32, #tpu.memory_space<vmem>> -> memref<1x64xi32, #tpu.memory_space<vmem>>
        %dma_start3A_25 = tpu.memref_squeeze %dma_start3A_24 : memref<1x64xi32, #tpu.memory_space<vmem>> -> memref<64xi32, #tpu.memory_space<vmem>>
        %dma_start3A_26 = arith.constant 0 : i32
        %dma_start3A_27 = arith.constant 0 : i32
        %dma_start3A_28 = tpu.memref_slice %arg6[%dma_start3A_26, %dma_start3A_27] : memref<10112x128xf32, #tpu.memory_space<vmem_shared>> -> memref<10112x128xf32, #tpu.memory_space<vmem_shared>>
        tpu.enqueue_indirect_dma source(%arg8 : memref<64x128xf32, #tpu.memory_space<vmem>>) target(%dma_start3A_28 : memref<10112x128xf32, #tpu.memory_space<vmem_shared>>) offsets(%dma_start3A_25 : memref<64xi32, #tpu.memory_space<vmem>>) semaphore(%run_scoped3A_23 : memref<!tpu.dma_semaphore, #tpu.memory_space<semaphore_mem>>) {add = true}
        %dma_wait3A = arith.constant 0 : i32
        %dma_wait3A_29 = tpu.memref_slice %arg7[%run_scoped3A, %dma_wait3A] : memref<1x64xi32, #tpu.memory_space<vmem>> -> memref<1x64xi32, #tpu.memory_space<vmem>>
        %dma_wait3A_30 = tpu.memref_squeeze %dma_wait3A_29 : memref<1x64xi32, #tpu.memory_space<vmem>> -> memref<64xi32, #tpu.memory_space<vmem>>
        %dma_wait3A_31 = arith.constant 0 : i32
        %dma_wait3A_32 = arith.constant 0 : i32
        %dma_wait3A_33 = tpu.memref_slice %arg6[%dma_wait3A_31, %dma_wait3A_32] : memref<10112x128xf32, #tpu.memory_space<vmem_shared>> -> memref<10112x128xf32, #tpu.memory_space<vmem_shared>>
        tpu.wait_indirect_dma semaphore(%run_scoped3A_23 : memref<!tpu.dma_semaphore, #tpu.memory_space<semaphore_mem>>) src(%arg8 : memref<64x128xf32, #tpu.memory_space<vmem>>) dst(%dma_wait3A_33 : memref<10112x128xf32, #tpu.memory_space<vmem_shared>>)
        tpu.yield
      }) : () -> ()
    }
    %scan3A_6 = arith.constant 157 : i32
    %barrier3A_7 = arith.constant 0 : index
    tpu.barrier barrier_id(%barrier3A_7)
    %eq3A_8 = arith.constant 0 : i32
    %eq3A_9 = arith.cmpi eq, %arg1, %eq3A_8 : i32
    %convert_element_type3A_10 = arith.extui %eq3A_9 : i1 to i32
    %cond3A_11 = arith.constant 0 : i32
    %cond3A_12 = arith.cmpi ne, %convert_element_type3A_10, %cond3A_11 : i32
    scf.if %cond3A_12 {
      "tpu.region"() ({
        %run_scoped3A = tpu.sem_alloc : memref<!tpu.dma_semaphore, #tpu.memory_space<semaphore_mem>>
        %dma_start3A = arith.constant 0 : i32
        %dma_start3A_13 = arith.constant 0 : i32
        %dma_start3A_14 = tpu.memref_slice %arg5[%arg0, %dma_start3A, %dma_start3A_13] : memref<2x10112x128xf32, #tpu.memory_space<hbm>> -> memref<1x10112x128xf32, #tpu.memory_space<hbm>>
        %dma_start3A_15 = tpu.memref_squeeze %dma_start3A_14 : memref<1x10112x128xf32, #tpu.memory_space<hbm>> -> memref<10112x128xf32, #tpu.memory_space<hbm>>
        tpu.enqueue_dma source(%arg6 : memref<10112x128xf32, #tpu.memory_space<vmem_shared>>) target(%dma_start3A_15 : memref<10112x128xf32, #tpu.memory_space<hbm>>) target_semaphore(%run_scoped3A : memref<!tpu.dma_semaphore, #tpu.memory_space<semaphore_mem>>)
        %dma_wait3A = arith.constant 0 : i32
        %dma_wait3A_16 = arith.constant 0 : i32
        %dma_wait3A_17 = tpu.memref_slice %arg5[%arg0, %dma_wait3A, %dma_wait3A_16] : memref<2x10112x128xf32, #tpu.memory_space<hbm>> -> memref<1x10112x128xf32, #tpu.memory_space<hbm>>
        %dma_wait3A_18 = tpu.memref_squeeze %dma_wait3A_17 : memref<1x10112x128xf32, #tpu.memory_space<hbm>> -> memref<10112x128xf32, #tpu.memory_space<hbm>>
        tpu.wait_dma2 semaphore(%run_scoped3A : memref<!tpu.dma_semaphore, #tpu.memory_space<semaphore_mem>>) src(%arg6 : memref<10112x128xf32, #tpu.memory_space<vmem_shared>>) dst(%dma_wait3A_18 : memref<10112x128xf32, #tpu.memory_space<hbm>>)
        tpu.yield
      }) : () -> ()
    } else {
    }
    return
  }
}

#map = affine_map<(d0, d1) -> (0, 0)>
#map1 = affine_map<(d0, d1) -> (0, 0, 0)>
module attributes {stable_mosaic.version = 14 : i64} {
  func.func @kern(%arg0: i32, %arg1: i32, %arg2: memref<10000x128xf32, #tpu.memory_space<hbm>>, %arg3: memref<5024x1x64xi32, #tpu.memory_space<hbm>>, %arg4: memref<5024x1x64xi32, #tpu.memory_space<hbm>>, %arg5: memref<10112x128xf32, #tpu.memory_space<hbm>>, %arg6: memref<2x10112x128xf32, #tpu.memory_space<hbm>>, %arg7: memref<10112x128xf32, #tpu.memory_space<vmem_shared>>, %arg8: memref<1x64xi32, #tpu.memory_space<vmem>>, %arg9: memref<1x64xi32, #tpu.memory_space<vmem>>, %arg10: memref<64x128xf32, #tpu.memory_space<vmem>>, %arg11: memref<!tpu.dma_semaphore, #tpu.memory_space<semaphore_mem>>) attributes {dimension_semantics = [#tpu.dimension_semantics<core_parallel>, #tpu.dimension_semantics<subcore_parallel>], iteration_bounds = array<i64: 2, 16>, scalar_prefetch = 0 : i64, scratch_operands = 5 : i64, tpu.core_type = #tpu.core_type<sc_vector_subcore>, window_params = [{transform_indices = #map}, {transform_indices = #map1}, {transform_indices = #map1}, {transform_indices = #map}, {transform_indices = #map1}]} {
    %mul3A = arith.constant 2 : i32
    %mul3A_0 = arith.muli %arg1, %mul3A : i32
    %add3A = arith.addi %mul3A_0, %arg0 : i32
    %eq3A = arith.constant 0 : i32
    %eq3A_1 = arith.cmpi eq, %arg1, %eq3A : i32
    %convert_element_type3A = arith.extui %eq3A_1 : i1 to i32
    %cond3A = arith.constant 0 : i32
    %cond3A_2 = arith.cmpi ne, %convert_element_type3A, %cond3A : i32
    scf.if %cond3A_2 {
      "tpu.region"() ({
        %run_scoped3A = tpu.sem_alloc : memref<!tpu.dma_semaphore, #tpu.memory_space<semaphore_mem>>
        tpu.enqueue_dma source(%arg5 : memref<10112x128xf32, #tpu.memory_space<hbm>>) target(%arg7 : memref<10112x128xf32, #tpu.memory_space<vmem_shared>>) target_semaphore(%run_scoped3A : memref<!tpu.dma_semaphore, #tpu.memory_space<semaphore_mem>>)
        tpu.wait_dma2 semaphore(%run_scoped3A : memref<!tpu.dma_semaphore, #tpu.memory_space<semaphore_mem>>) src(%arg5 : memref<10112x128xf32, #tpu.memory_space<hbm>>) dst(%arg7 : memref<10112x128xf32, #tpu.memory_space<vmem_shared>>)
        tpu.yield
      }) : () -> ()
    } else {
    }
    %barrier3A = arith.constant 0 : index
    tpu.barrier barrier_id(%barrier3A)
    %scan3A = arith.constant 0 : i32
    %scan3A_3 = arith.constant 157 : i32
    %scan3A_4 = arith.addi %scan3A, %scan3A_3 : i32
    %scan3A_5 = arith.constant 1 : i32
    scf.for %scan3A_13 = %scan3A to %scan3A_4 step %scan3A_5  : i32 {
      %mul3A_14 = arith.constant 1 : i32
      %mul3A_15 = arith.muli %scan3A_13, %mul3A_14 : i32
      %add3A_16 = arith.constant 0 : i32
      %add3A_17 = arith.addi %add3A_16, %mul3A_15 : i32
      %mul3A_18 = arith.constant 157 : i32
      %mul3A_19 = arith.muli %add3A, %mul3A_18 : i32
      %add3A_20 = arith.addi %mul3A_19, %add3A_17 : i32
      "tpu.region"() ({
        %run_scoped3A_33 = tpu.sem_alloc : memref<!tpu.dma_semaphore, #tpu.memory_space<semaphore_mem>>
        %dma_start3A_34 = arith.constant 0 : i32
        %dma_start3A_35 = arith.constant 0 : i32
        %dma_start3A_36 = tpu.memref_slice %arg3[%add3A_20, %dma_start3A_34, %dma_start3A_35] : memref<5024x1x64xi32, #tpu.memory_space<hbm>> -> memref<1x1x64xi32, #tpu.memory_space<hbm>>
        %dma_start3A_37 = tpu.memref_squeeze %dma_start3A_36 : memref<1x1x64xi32, #tpu.memory_space<hbm>> -> memref<1x64xi32, #tpu.memory_space<hbm>>
        %dma_start3A_38 = arith.constant 0 : i32
        %dma_start3A_39 = arith.constant 0 : i32
        %dma_start3A_40 = tpu.memref_slice %arg3[%add3A_20, %dma_start3A_38, %dma_start3A_39] : memref<5024x1x64xi32, #tpu.memory_space<hbm>> -> memref<1x1x64xi32, #tpu.memory_space<hbm>>
        %dma_start3A_41 = tpu.memref_squeeze %dma_start3A_40 : memref<1x1x64xi32, #tpu.memory_space<hbm>> -> memref<1x64xi32, #tpu.memory_space<hbm>>
        tpu.enqueue_dma source(%dma_start3A_41 : memref<1x64xi32, #tpu.memory_space<hbm>>) target(%arg8 : memref<1x64xi32, #tpu.memory_space<vmem>>) target_semaphore(%run_scoped3A_33 : memref<!tpu.dma_semaphore, #tpu.memory_space<semaphore_mem>>)
        %dma_wait3A_42 = arith.constant 0 : i32
        %dma_wait3A_43 = arith.constant 0 : i32
        %dma_wait3A_44 = tpu.memref_slice %arg3[%add3A_20, %dma_wait3A_42, %dma_wait3A_43] : memref<5024x1x64xi32, #tpu.memory_space<hbm>> -> memref<1x1x64xi32, #tpu.memory_space<hbm>>
        %dma_wait3A_45 = tpu.memref_squeeze %dma_wait3A_44 : memref<1x1x64xi32, #tpu.memory_space<hbm>> -> memref<1x64xi32, #tpu.memory_space<hbm>>
        %dma_wait3A_46 = arith.constant 0 : i32
        %dma_wait3A_47 = arith.constant 0 : i32
        %dma_wait3A_48 = tpu.memref_slice %arg3[%add3A_20, %dma_wait3A_46, %dma_wait3A_47] : memref<5024x1x64xi32, #tpu.memory_space<hbm>> -> memref<1x1x64xi32, #tpu.memory_space<hbm>>
        %dma_wait3A_49 = tpu.memref_squeeze %dma_wait3A_48 : memref<1x1x64xi32, #tpu.memory_space<hbm>> -> memref<1x64xi32, #tpu.memory_space<hbm>>
        tpu.wait_dma2 semaphore(%run_scoped3A_33 : memref<!tpu.dma_semaphore, #tpu.memory_space<semaphore_mem>>) src(%dma_wait3A_49 : memref<1x64xi32, #tpu.memory_space<hbm>>) dst(%arg8 : memref<1x64xi32, #tpu.memory_space<vmem>>)
        tpu.yield
      }) : () -> ()
      "tpu.region"() ({
        %run_scoped3A_33 = tpu.sem_alloc : memref<!tpu.dma_semaphore, #tpu.memory_space<semaphore_mem>>
        %dma_start3A_34 = arith.constant 0 : i32
        %dma_start3A_35 = arith.constant 0 : i32
        %dma_start3A_36 = tpu.memref_slice %arg4[%add3A_20, %dma_start3A_34, %dma_start3A_35] : memref<5024x1x64xi32, #tpu.memory_space<hbm>> -> memref<1x1x64xi32, #tpu.memory_space<hbm>>
        %dma_start3A_37 = tpu.memref_squeeze %dma_start3A_36 : memref<1x1x64xi32, #tpu.memory_space<hbm>> -> memref<1x64xi32, #tpu.memory_space<hbm>>
        %dma_start3A_38 = arith.constant 0 : i32
        %dma_start3A_39 = arith.constant 0 : i32
        %dma_start3A_40 = tpu.memref_slice %arg4[%add3A_20, %dma_start3A_38, %dma_start3A_39] : memref<5024x1x64xi32, #tpu.memory_space<hbm>> -> memref<1x1x64xi32, #tpu.memory_space<hbm>>
        %dma_start3A_41 = tpu.memref_squeeze %dma_start3A_40 : memref<1x1x64xi32, #tpu.memory_space<hbm>> -> memref<1x64xi32, #tpu.memory_space<hbm>>
        tpu.enqueue_dma source(%dma_start3A_41 : memref<1x64xi32, #tpu.memory_space<hbm>>) target(%arg9 : memref<1x64xi32, #tpu.memory_space<vmem>>) target_semaphore(%run_scoped3A_33 : memref<!tpu.dma_semaphore, #tpu.memory_space<semaphore_mem>>)
        %dma_wait3A_42 = arith.constant 0 : i32
        %dma_wait3A_43 = arith.constant 0 : i32
        %dma_wait3A_44 = tpu.memref_slice %arg4[%add3A_20, %dma_wait3A_42, %dma_wait3A_43] : memref<5024x1x64xi32, #tpu.memory_space<hbm>> -> memref<1x1x64xi32, #tpu.memory_space<hbm>>
        %dma_wait3A_45 = tpu.memref_squeeze %dma_wait3A_44 : memref<1x1x64xi32, #tpu.memory_space<hbm>> -> memref<1x64xi32, #tpu.memory_space<hbm>>
        %dma_wait3A_46 = arith.constant 0 : i32
        %dma_wait3A_47 = arith.constant 0 : i32
        %dma_wait3A_48 = tpu.memref_slice %arg4[%add3A_20, %dma_wait3A_46, %dma_wait3A_47] : memref<5024x1x64xi32, #tpu.memory_space<hbm>> -> memref<1x1x64xi32, #tpu.memory_space<hbm>>
        %dma_wait3A_49 = tpu.memref_squeeze %dma_wait3A_48 : memref<1x1x64xi32, #tpu.memory_space<hbm>> -> memref<1x64xi32, #tpu.memory_space<hbm>>
        tpu.wait_dma2 semaphore(%run_scoped3A_33 : memref<!tpu.dma_semaphore, #tpu.memory_space<semaphore_mem>>) src(%dma_wait3A_49 : memref<1x64xi32, #tpu.memory_space<hbm>>) dst(%arg9 : memref<1x64xi32, #tpu.memory_space<vmem>>)
        tpu.yield
      }) : () -> ()
      %dma_start3A = arith.constant 0 : i32
      %dma_start3A_21 = arith.constant 0 : i32
      %dma_start3A_22 = tpu.memref_slice %arg8[%dma_start3A, %dma_start3A_21] : memref<1x64xi32, #tpu.memory_space<vmem>> -> memref<1x64xi32, #tpu.memory_space<vmem>>
      %dma_start3A_23 = tpu.memref_squeeze %dma_start3A_22 : memref<1x64xi32, #tpu.memory_space<vmem>> -> memref<64xi32, #tpu.memory_space<vmem>>
      %dma_start3A_24 = arith.constant 0 : i32
      %dma_start3A_25 = arith.constant 0 : i32
      %dma_start3A_26 = tpu.memref_slice %arg2[%dma_start3A_24, %dma_start3A_25] : memref<10000x128xf32, #tpu.memory_space<hbm>> -> memref<10000x128xf32, #tpu.memory_space<hbm>>
      tpu.enqueue_indirect_dma source(%dma_start3A_26 : memref<10000x128xf32, #tpu.memory_space<hbm>>) target(%arg10 : memref<64x128xf32, #tpu.memory_space<vmem>>) offsets(%dma_start3A_23 : memref<64xi32, #tpu.memory_space<vmem>>) semaphore(%arg11 : memref<!tpu.dma_semaphore, #tpu.memory_space<semaphore_mem>>)
      %dma_wait3A = arith.constant 0 : i32
      %dma_wait3A_27 = arith.constant 0 : i32
      %dma_wait3A_28 = tpu.memref_slice %arg8[%dma_wait3A, %dma_wait3A_27] : memref<1x64xi32, #tpu.memory_space<vmem>> -> memref<1x64xi32, #tpu.memory_space<vmem>>
      %dma_wait3A_29 = tpu.memref_squeeze %dma_wait3A_28 : memref<1x64xi32, #tpu.memory_space<vmem>> -> memref<64xi32, #tpu.memory_space<vmem>>
      %dma_wait3A_30 = arith.constant 0 : i32
      %dma_wait3A_31 = arith.constant 0 : i32
      %dma_wait3A_32 = tpu.memref_slice %arg2[%dma_wait3A_30, %dma_wait3A_31] : memref<10000x128xf32, #tpu.memory_space<hbm>> -> memref<10000x128xf32, #tpu.memory_space<hbm>>
      tpu.wait_indirect_dma semaphore(%arg11 : memref<!tpu.dma_semaphore, #tpu.memory_space<semaphore_mem>>) src(%dma_wait3A_32 : memref<10000x128xf32, #tpu.memory_space<hbm>>) dst(%arg10 : memref<64x128xf32, #tpu.memory_space<vmem>>)
      %run_scoped3A = arith.constant 0 : i32
      "tpu.region"() ({
        %run_scoped3A_33 = tpu.sem_alloc : memref<!tpu.dma_semaphore, #tpu.memory_space<semaphore_mem>>
        %dma_start3A_34 = arith.constant 0 : i32
        %dma_start3A_35 = tpu.memref_slice %arg9[%run_scoped3A, %dma_start3A_34] : memref<1x64xi32, #tpu.memory_space<vmem>> -> memref<1x64xi32, #tpu.memory_space<vmem>>
        %dma_start3A_36 = tpu.memref_squeeze %dma_start3A_35 : memref<1x64xi32, #tpu.memory_space<vmem>> -> memref<64xi32, #tpu.memory_space<vmem>>
        %dma_start3A_37 = arith.constant 0 : i32
        %dma_start3A_38 = arith.constant 0 : i32
        %dma_start3A_39 = tpu.memref_slice %arg7[%dma_start3A_37, %dma_start3A_38] : memref<10112x128xf32, #tpu.memory_space<vmem_shared>> -> memref<10112x128xf32, #tpu.memory_space<vmem_shared>>
        tpu.enqueue_indirect_dma source(%arg10 : memref<64x128xf32, #tpu.memory_space<vmem>>) target(%dma_start3A_39 : memref<10112x128xf32, #tpu.memory_space<vmem_shared>>) offsets(%dma_start3A_36 : memref<64xi32, #tpu.memory_space<vmem>>) semaphore(%run_scoped3A_33 : memref<!tpu.dma_semaphore, #tpu.memory_space<semaphore_mem>>) {add = true}
        %dma_wait3A_40 = arith.constant 0 : i32
        %dma_wait3A_41 = tpu.memref_slice %arg9[%run_scoped3A, %dma_wait3A_40] : memref<1x64xi32, #tpu.memory_space<vmem>> -> memref<1x64xi32, #tpu.memory_space<vmem>>
        %dma_wait3A_42 = tpu.memref_squeeze %dma_wait3A_41 : memref<1x64xi32, #tpu.memory_space<vmem>> -> memref<64xi32, #tpu.memory_space<vmem>>
        %dma_wait3A_43 = arith.constant 0 : i32
        %dma_wait3A_44 = arith.constant 0 : i32
        %dma_wait3A_45 = tpu.memref_slice %arg7[%dma_wait3A_43, %dma_wait3A_44] : memref<10112x128xf32, #tpu.memory_space<vmem_shared>> -> memref<10112x128xf32, #tpu.memory_space<vmem_shared>>
        tpu.wait_indirect_dma semaphore(%run_scoped3A_33 : memref<!tpu.dma_semaphore, #tpu.memory_space<semaphore_mem>>) src(%arg10 : memref<64x128xf32, #tpu.memory_space<vmem>>) dst(%dma_wait3A_45 : memref<10112x128xf32, #tpu.memory_space<vmem_shared>>)
        tpu.yield
      }) : () -> ()
    }
    %scan3A_6 = arith.constant 157 : i32
    %barrier3A_7 = arith.constant 0 : index
    tpu.barrier barrier_id(%barrier3A_7)
    %eq3A_8 = arith.constant 0 : i32
    %eq3A_9 = arith.cmpi eq, %arg1, %eq3A_8 : i32
    %convert_element_type3A_10 = arith.extui %eq3A_9 : i1 to i32
    %cond3A_11 = arith.constant 0 : i32
    %cond3A_12 = arith.cmpi ne, %convert_element_type3A_10, %cond3A_11 : i32
    scf.if %cond3A_12 {
      "tpu.region"() ({
        %run_scoped3A = tpu.sem_alloc : memref<!tpu.dma_semaphore, #tpu.memory_space<semaphore_mem>>
        %dma_start3A = arith.constant 0 : i32
        %dma_start3A_13 = arith.constant 0 : i32
        %dma_start3A_14 = tpu.memref_slice %arg6[%arg0, %dma_start3A, %dma_start3A_13] : memref<2x10112x128xf32, #tpu.memory_space<hbm>> -> memref<1x10112x128xf32, #tpu.memory_space<hbm>>
        %dma_start3A_15 = tpu.memref_squeeze %dma_start3A_14 : memref<1x10112x128xf32, #tpu.memory_space<hbm>> -> memref<10112x128xf32, #tpu.memory_space<hbm>>
        tpu.enqueue_dma source(%arg7 : memref<10112x128xf32, #tpu.memory_space<vmem_shared>>) target(%dma_start3A_15 : memref<10112x128xf32, #tpu.memory_space<hbm>>) target_semaphore(%run_scoped3A : memref<!tpu.dma_semaphore, #tpu.memory_space<semaphore_mem>>)
        %dma_wait3A = arith.constant 0 : i32
        %dma_wait3A_16 = arith.constant 0 : i32
        %dma_wait3A_17 = tpu.memref_slice %arg6[%arg0, %dma_wait3A, %dma_wait3A_16] : memref<2x10112x128xf32, #tpu.memory_space<hbm>> -> memref<1x10112x128xf32, #tpu.memory_space<hbm>>
        %dma_wait3A_18 = tpu.memref_squeeze %dma_wait3A_17 : memref<1x10112x128xf32, #tpu.memory_space<hbm>> -> memref<10112x128xf32, #tpu.memory_space<hbm>>
        tpu.wait_dma2 semaphore(%run_scoped3A : memref<!tpu.dma_semaphore, #tpu.memory_space<semaphore_mem>>) src(%arg7 : memref<10112x128xf32, #tpu.memory_space<vmem_shared>>) dst(%dma_wait3A_18 : memref<10112x128xf32, #tpu.memory_space<hbm>>)
        tpu.yield
      }) : () -> ()
    } else {
    }
    return
  }
}

module attributes {stable_mosaic.version = 14 : i64} {
  func.func @tc1a(%arg0: i32, %arg1: memref<2000x128xf32, #tpu.memory_space<vmem>>, %arg2: memref<2x2000x128xf32, #tpu.memory_space<vmem>>, %arg3: memref<2x2000x128xf32, #tpu.memory_space<vmem>>, %arg4: memref<128x128xf32, #tpu.memory_space<vmem>>, %arg5: memref<128x128xf32, #tpu.memory_space<vmem>>, %arg6: memref<128x128xf32, #tpu.memory_space<vmem>>, %arg7: memref<1x128xf32, #tpu.memory_space<vmem>>, %arg8: memref<2000x128xf32, #tpu.memory_space<vmem>>, %arg9: memref<8x128xf32, #tpu.memory_space<vmem>>, %arg10: memref<1x128xf32, #tpu.memory_space<vmem>>, %arg11: memref<1x128xf32, #tpu.memory_space<vmem>>) attributes {dimension_semantics = [#tpu.dimension_semantics<arbitrary>], iteration_bounds = array<i64: 5>, scalar_prefetch = 0 : i64, scratch_operands = 2 : i64, tpu.core_type = #tpu.core_type<tc>, window_params = [{transform_indices = @transform_0, window_bounds = array<i64: 2000, 128>}, {transform_indices = @transform_1, window_bounds = array<i64: 2, 2000, 128>}, {transform_indices = @transform_2, window_bounds = array<i64: 2, 2000, 128>}, {pipeline_mode = #tpu.pipeline_mode<synchronous>, transform_indices = @transform_3, window_bounds = array<i64: 128, 128>}, {pipeline_mode = #tpu.pipeline_mode<synchronous>, transform_indices = @transform_4, window_bounds = array<i64: 128, 128>}, {pipeline_mode = #tpu.pipeline_mode<synchronous>, transform_indices = @transform_5, window_bounds = array<i64: 128, 128>}, {pipeline_mode = #tpu.pipeline_mode<synchronous>, transform_indices = @transform_6, window_bounds = array<i64: 1, 128>}, {transform_indices = @transform_7, window_bounds = array<i64: 2000, 128>}, {pipeline_mode = #tpu.pipeline_mode<synchronous>, transform_indices = @transform_8, window_bounds = array<i64: 8, 128>}]} {
    %get3A = arith.constant 0 : index
    %get3A_0 = arith.constant 0 : index
    %get3A_1 = vector.load %arg1[%get3A, %get3A_0] : memref<2000x128xf32, #tpu.memory_space<vmem>>, vector<2000x128xf32>
    %get3A_2 = arith.constant 0 : index
    %get3A_3 = arith.constant 0 : index
    %get3A_4 = arith.constant 0 : index
    %get3A_5 = vector.load %arg2[%get3A_2, %get3A_3, %get3A_4] : memref<2x2000x128xf32, #tpu.memory_space<vmem>>, vector<1x2000x128xf32>
    %get3A_6 = vector.shape_cast %get3A_5 : vector<1x2000x128xf32> to vector<2000x128xf32>
    %get3A_7 = arith.constant 1 : index
    %get3A_8 = arith.constant 0 : index
    %get3A_9 = arith.constant 0 : index
    %get3A_10 = vector.load %arg2[%get3A_7, %get3A_8, %get3A_9] : memref<2x2000x128xf32, #tpu.memory_space<vmem>>, vector<1x2000x128xf32>
    %get3A_11 = vector.shape_cast %get3A_10 : vector<1x2000x128xf32> to vector<2000x128xf32>
    %add3A = arith.addf %get3A_6, %get3A_11 : vector<2000x128xf32>
    %add3A_12 = arith.addf %add3A, %get3A_1 : vector<2000x128xf32>
    %get3A_13 = arith.constant 0 : index
    %get3A_14 = arith.constant 0 : index
    %get3A_15 = arith.constant 0 : index
    %get3A_16 = vector.load %arg3[%get3A_13, %get3A_14, %get3A_15] : memref<2x2000x128xf32, #tpu.memory_space<vmem>>, vector<1x2000x128xf32>
    %get3A_17 = vector.shape_cast %get3A_16 : vector<1x2000x128xf32> to vector<2000x128xf32>
    %get3A_18 = arith.constant 1 : index
    %get3A_19 = arith.constant 0 : index
    %get3A_20 = arith.constant 0 : index
    %get3A_21 = vector.load %arg3[%get3A_18, %get3A_19, %get3A_20] : memref<2x2000x128xf32, #tpu.memory_space<vmem>>, vector<1x2000x128xf32>
    %get3A_22 = vector.shape_cast %get3A_21 : vector<1x2000x128xf32> to vector<2000x128xf32>
    %add3A_23 = arith.addf %get3A_17, %get3A_22 : vector<2000x128xf32>
    %slice3A = vector.extract_strided_slice %add3A_23 {offsets = [0, 16], sizes = [2000, 1], strides = [1, 1]} : vector<2000x128xf32> to vector<2000x1xf32>
    %add3A_24 = arith.constant 1.000000e+00 : f32
    %add3A_25 = vector.broadcast %add3A_24 : f32 to vector<2000x1xf32>
    %add3A_26 = arith.addf %slice3A, %add3A_25 : vector<2000x1xf32>
    %get3A_27 = arith.constant 0 : index
    %get3A_28 = arith.constant 0 : index
    %get3A_29 = vector.load %arg4[%get3A_27, %get3A_28] : memref<128x128xf32, #tpu.memory_space<vmem>>, vector<128x128xf32>
    %dot_general3A = arith.constant dense<0.000000e+00> : vector<2000x128xf32>
    %dot_general3A_30 = tpu.matmul %get3A_1, %get3A_29, %dot_general3A {dimension_numbers = #tpu.dot_dimension_numbers<[1], [0], [0], [1], [0, 0, 1, 1], [], []>, transpose_lhs_hint = false} : vector<2000x128xf32>, vector<128x128xf32>, vector<2000x128xf32> -> vector<2000x128xf32>
    %mul3A = vector.broadcast %add3A_26 : vector<2000x1xf32> to vector<2000x128xf32>
    %mul3A_31 = arith.mulf %mul3A, %dot_general3A_30 : vector<2000x128xf32>
    %get3A_32 = arith.constant 0 : index
    %get3A_33 = arith.constant 0 : index
    %get3A_34 = vector.load %arg5[%get3A_32, %get3A_33] : memref<128x128xf32, #tpu.memory_space<vmem>>, vector<128x128xf32>
    %dot_general3A_35 = arith.constant dense<0.000000e+00> : vector<2000x128xf32>
    %dot_general3A_36 = tpu.matmul %add3A_12, %get3A_34, %dot_general3A_35 {dimension_numbers = #tpu.dot_dimension_numbers<[1], [0], [0], [1], [0, 0, 1, 1], [], []>, transpose_lhs_hint = false} : vector<2000x128xf32>, vector<128x128xf32>, vector<2000x128xf32> -> vector<2000x128xf32>
    %add3A_37 = arith.addf %mul3A_31, %dot_general3A_36 : vector<2000x128xf32>
    %get3A_38 = arith.constant 0 : index
    %get3A_39 = arith.constant 0 : index
    %get3A_40 = vector.load %arg6[%get3A_38, %get3A_39] : memref<128x128xf32, #tpu.memory_space<vmem>>, vector<128x128xf32>
    %dot_general3A_41 = arith.constant dense<0.000000e+00> : vector<2000x128xf32>
    %dot_general3A_42 = tpu.matmul %add3A_23, %get3A_40, %dot_general3A_41 {dimension_numbers = #tpu.dot_dimension_numbers<[1], [0], [0], [1], [0, 0, 1, 1], [], []>, transpose_lhs_hint = false} : vector<2000x128xf32>, vector<128x128xf32>, vector<2000x128xf32> -> vector<2000x128xf32>
    %add3A_43 = arith.addf %add3A_37, %dot_general3A_42 : vector<2000x128xf32>
    %get3A_44 = arith.constant 0 : index
    %get3A_45 = arith.constant 0 : index
    %get3A_46 = vector.load %arg7[%get3A_44, %get3A_45] : memref<1x128xf32, #tpu.memory_space<vmem>>, vector<1x128xf32>
    %add3A_47 = vector.broadcast %get3A_46 : vector<1x128xf32> to vector<2000x128xf32>
    %add3A_48 = arith.addf %add3A_43, %add3A_47 : vector<2000x128xf32>
    %max3A = arith.constant 0.000000e+00 : f32
    %max3A_49 = vector.broadcast %max3A : f32 to vector<2000x128xf32>
    %max3A_50 = arith.maximumf %add3A_48, %max3A_49 : vector<2000x128xf32>
    %swap3A = arith.constant 0 : index
    %swap3A_51 = arith.constant 0 : index
    %swap3A_52 = vector.load %arg8[%swap3A, %swap3A_51] : memref<2000x128xf32, #tpu.memory_space<vmem>>, vector<2000x128xf32>
    tpu.vector_store %arg8[%swap3A, %swap3A_51], %max3A_50 {strides = array<i32>} : memref<2000x128xf32, #tpu.memory_space<vmem>>, vector<2000x128xf32>,
    %eq3A = arith.constant 0 : i32
    %eq3A_53 = arith.cmpi eq, %arg0, %eq3A : i32
    %convert_element_type3A = arith.extui %eq3A_53 : i1 to i32
    %cond3A = arith.constant 0 : i32
    %cond3A_54 = arith.cmpi ne, %convert_element_type3A, %cond3A : i32
    scf.if %cond3A_54 {
      %broadcast_in_dim3A_79 = arith.constant 0.000000e+00 : f32
      %broadcast_in_dim3A_80 = vector.broadcast %broadcast_in_dim3A_79 : f32 to vector<1x128xf32>
      %swap3A_81 = arith.constant 0 : index
      %swap3A_82 = arith.constant 0 : index
      %swap3A_83 = vector.load %arg10[%swap3A_81, %swap3A_82] : memref<1x128xf32, #tpu.memory_space<vmem>>, vector<1x128xf32>
      tpu.vector_store %arg10[%swap3A_81, %swap3A_82], %broadcast_in_dim3A_80 {strides = array<i32>} : memref<1x128xf32, #tpu.memory_space<vmem>>, vector<1x128xf32>,
      %broadcast_in_dim3A_84 = arith.constant 0.000000e+00 : f32
      %broadcast_in_dim3A_85 = vector.broadcast %broadcast_in_dim3A_84 : f32 to vector<1x128xf32>
      %swap3A_86 = arith.constant 0 : index
      %swap3A_87 = arith.constant 0 : index
      %swap3A_88 = vector.load %arg11[%swap3A_86, %swap3A_87] : memref<1x128xf32, #tpu.memory_space<vmem>>, vector<1x128xf32>
      tpu.vector_store %arg11[%swap3A_86, %swap3A_87], %broadcast_in_dim3A_85 {strides = array<i32>} : memref<1x128xf32, #tpu.memory_space<vmem>>, vector<1x128xf32>,
    } else {
    }
    %get3A_55 = arith.constant 0 : index
    %get3A_56 = arith.constant 0 : index
    %get3A_57 = vector.load %arg10[%get3A_55, %get3A_56] : memref<1x128xf32, #tpu.memory_space<vmem>>, vector<1x128xf32>
    %reduce_sum3A = arith.constant dense<0.000000e+00> : vector<128xf32>
    %reduce_sum3A_58 = vector.multi_reduction <add>, %max3A_50, %reduce_sum3A [0] : vector<2000x128xf32> to vector<128xf32>
    %broadcast_in_dim3A = vector.shape_cast %reduce_sum3A_58 : vector<128xf32> to vector<1x128xf32>
    %add3A_59 = arith.addf %get3A_57, %broadcast_in_dim3A : vector<1x128xf32>
    %swap3A_60 = arith.constant 0 : index
    %swap3A_61 = arith.constant 0 : index
    %swap3A_62 = vector.load %arg10[%swap3A_60, %swap3A_61] : memref<1x128xf32, #tpu.memory_space<vmem>>, vector<1x128xf32>
    tpu.vector_store %arg10[%swap3A_60, %swap3A_61], %add3A_59 {strides = array<i32>} : memref<1x128xf32, #tpu.memory_space<vmem>>, vector<1x128xf32>,
    %get3A_63 = arith.constant 0 : index
    %get3A_64 = arith.constant 0 : index
    %get3A_65 = vector.load %arg11[%get3A_63, %get3A_64] : memref<1x128xf32, #tpu.memory_space<vmem>>, vector<1x128xf32>
    %mul3A_66 = arith.mulf %max3A_50, %max3A_50 : vector<2000x128xf32>
    %reduce_sum3A_67 = arith.constant dense<0.000000e+00> : vector<128xf32>
    %reduce_sum3A_68 = vector.multi_reduction <add>, %mul3A_66, %reduce_sum3A_67 [0] : vector<2000x128xf32> to vector<128xf32>
    %broadcast_in_dim3A_69 = vector.shape_cast %reduce_sum3A_68 : vector<128xf32> to vector<1x128xf32>
    %add3A_70 = arith.addf %get3A_65, %broadcast_in_dim3A_69 : vector<1x128xf32>
    %swap3A_71 = arith.constant 0 : index
    %swap3A_72 = arith.constant 0 : index
    %swap3A_73 = vector.load %arg11[%swap3A_71, %swap3A_72] : memref<1x128xf32, #tpu.memory_space<vmem>>, vector<1x128xf32>
    tpu.vector_store %arg11[%swap3A_71, %swap3A_72], %add3A_70 {strides = array<i32>} : memref<1x128xf32, #tpu.memory_space<vmem>>, vector<1x128xf32>,
    %eq3A_74 = arith.constant 4 : i32
    %eq3A_75 = arith.cmpi eq, %arg0, %eq3A_74 : i32
    %convert_element_type3A_76 = arith.extui %eq3A_75 : i1 to i32
    %cond3A_77 = arith.constant 0 : i32
    %cond3A_78 = arith.cmpi ne, %convert_element_type3A_76, %cond3A_77 : i32
    scf.if %cond3A_78 {
      %get3A_79 = arith.constant 0 : index
      %get3A_80 = arith.constant 0 : index
      %get3A_81 = vector.load %arg10[%get3A_79, %get3A_80] : memref<1x128xf32, #tpu.memory_space<vmem>>, vector<1x128xf32>
      %swap3A_82 = arith.constant 0 : index
      %swap3A_83 = arith.constant 0 : index
      %swap3A_84 = vector.load %arg9[%swap3A_82, %swap3A_83] : memref<8x128xf32, #tpu.memory_space<vmem>>, vector<1x128xf32>
      tpu.vector_store %arg9[%swap3A_82, %swap3A_83], %get3A_81 {strides = array<i32>} : memref<8x128xf32, #tpu.memory_space<vmem>>, vector<1x128xf32>,
      %get3A_85 = arith.constant 0 : index
      %get3A_86 = arith.constant 0 : index
      %get3A_87 = vector.load %arg11[%get3A_85, %get3A_86] : memref<1x128xf32, #tpu.memory_space<vmem>>, vector<1x128xf32>
      %swap3A_88 = arith.constant 1 : index
      %swap3A_89 = arith.constant 0 : index
      %swap3A_90 = vector.load %arg9[%swap3A_88, %swap3A_89] : memref<8x128xf32, #tpu.memory_space<vmem>>, vector<1x128xf32>
      tpu.vector_store %arg9[%swap3A_88, %swap3A_89], %get3A_87 {strides = array<i32>} : memref<8x128xf32, #tpu.memory_space<vmem>>, vector<1x128xf32>,
    } else {
    }
    return
  }
  func.func @transform_0(%arg0: i32) -> (i32, i32) {
    %c0_i32 = arith.constant 0 : i32
    %c0_i32_0 = arith.constant 0 : i32
    return %arg0, %c0_i32 : i32, i32
  }
  func.func @transform_1(%arg0: i32) -> (i32, i32, i32) {
    %c0_i32 = arith.constant 0 : i32
    %c0_i32_0 = arith.constant 0 : i32
    %c0_i32_1 = arith.constant 0 : i32
    return %c0_i32, %arg0, %c0_i32_0 : i32, i32, i32
  }
  func.func @transform_2(%arg0: i32) -> (i32, i32, i32) {
    %c0_i32 = arith.constant 0 : i32
    %c0_i32_0 = arith.constant 0 : i32
    %c0_i32_1 = arith.constant 0 : i32
    return %c0_i32, %arg0, %c0_i32_0 : i32, i32, i32
  }
  func.func @transform_3(%arg0: i32) -> (i32, i32) {
    %c0_i32 = arith.constant 0 : i32
    %c0_i32_0 = arith.constant 0 : i32
    %c0_i32_1 = arith.constant 0 : i32
    return %c0_i32, %c0_i32_0 : i32, i32
  }
  func.func @transform_4(%arg0: i32) -> (i32, i32) {
    %c0_i32 = arith.constant 0 : i32
    %c0_i32_0 = arith.constant 0 : i32
    %c0_i32_1 = arith.constant 0 : i32
    return %c0_i32, %c0_i32_0 : i32, i32
  }
  func.func @transform_5(%arg0: i32) -> (i32, i32) {
    %c0_i32 = arith.constant 0 : i32
    %c0_i32_0 = arith.constant 0 : i32
    %c0_i32_1 = arith.constant 0 : i32
    return %c0_i32, %c0_i32_0 : i32, i32
  }
  func.func @transform_6(%arg0: i32) -> (i32, i32) {
    %c0_i32 = arith.constant 0 : i32
    %c0_i32_0 = arith.constant 0 : i32
    %c0_i32_1 = arith.constant 0 : i32
    return %c0_i32, %c0_i32_0 : i32, i32
  }
  func.func @transform_7(%arg0: i32) -> (i32, i32) {
    %c0_i32 = arith.constant 0 : i32
    %c0_i32_0 = arith.constant 0 : i32
    return %arg0, %c0_i32 : i32, i32
  }
  func.func @transform_8(%arg0: i32) -> (i32, i32) {
    %c0_i32 = arith.constant 0 : i32
    %c0_i32_0 = arith.constant 0 : i32
    %c0_i32_1 = arith.constant 0 : i32
    return %c0_i32, %c0_i32_0 : i32, i32
  }
}

module attributes {stable_mosaic.version = 14 : i64} {
  func.func @tc2(%arg0: i32, %arg1: memref<2x2000x128xf32, #tpu.memory_space<vmem>>, %arg2: memref<2000x128xf32, #tpu.memory_space<vmem>>, %arg3: memref<2000x128xf32, #tpu.memory_space<vmem>>) attributes {dimension_semantics = [#tpu.dimension_semantics<arbitrary>], iteration_bounds = array<i64: 5>, scalar_prefetch = 0 : i64, scratch_operands = 0 : i64, tpu.core_type = #tpu.core_type<tc>, window_params = [{transform_indices = @transform_0, window_bounds = array<i64: 2, 2000, 128>}, {transform_indices = @transform_1, window_bounds = array<i64: 2000, 128>}, {transform_indices = @transform_2, window_bounds = array<i64: 2000, 128>}]} {
    %get3A = arith.constant 0 : index
    %get3A_0 = arith.constant 0 : index
    %get3A_1 = arith.constant 0 : index
    %get3A_2 = vector.load %arg1[%get3A, %get3A_0, %get3A_1] : memref<2x2000x128xf32, #tpu.memory_space<vmem>>, vector<1x2000x128xf32>
    %get3A_3 = vector.shape_cast %get3A_2 : vector<1x2000x128xf32> to vector<2000x128xf32>
    %get3A_4 = arith.constant 1 : index
    %get3A_5 = arith.constant 0 : index
    %get3A_6 = arith.constant 0 : index
    %get3A_7 = vector.load %arg1[%get3A_4, %get3A_5, %get3A_6] : memref<2x2000x128xf32, #tpu.memory_space<vmem>>, vector<1x2000x128xf32>
    %get3A_8 = vector.shape_cast %get3A_7 : vector<1x2000x128xf32> to vector<2000x128xf32>
    %add3A = arith.addf %get3A_3, %get3A_8 : vector<2000x128xf32>
    %get3A_9 = arith.constant 0 : index
    %get3A_10 = arith.constant 0 : index
    %get3A_11 = vector.load %arg2[%get3A_9, %get3A_10] : memref<2000x128xf32, #tpu.memory_space<vmem>>, vector<2000x128xf32>
    %add3A_12 = arith.addf %add3A, %get3A_11 : vector<2000x128xf32>
    %max3A = arith.constant 0.000000e+00 : f32
    %max3A_13 = vector.broadcast %max3A : f32 to vector<2000x128xf32>
    %max3A_14 = arith.maximumf %add3A_12, %max3A_13 : vector<2000x128xf32>
    %swap3A = arith.constant 0 : index
    %swap3A_15 = arith.constant 0 : index
    %swap3A_16 = vector.load %arg3[%swap3A, %swap3A_15] : memref<2000x128xf32, #tpu.memory_space<vmem>>, vector<2000x128xf32>
    tpu.vector_store %arg3[%swap3A, %swap3A_15], %max3A_14 {strides = array<i32>} : memref<2000x128xf32, #tpu.memory_space<vmem>>, vector<2000x128xf32>,
    return
  }
  func.func @transform_0(%arg0: i32) -> (i32, i32, i32) {
    %c0_i32 = arith.constant 0 : i32
    %c0_i32_0 = arith.constant 0 : i32
    %c0_i32_1 = arith.constant 0 : i32
    return %c0_i32, %arg0, %c0_i32_0 : i32, i32, i32
  }
  func.func @transform_1(%arg0: i32) -> (i32, i32) {
    %c0_i32 = arith.constant 0 : i32
    %c0_i32_0 = arith.constant 0 : i32
    return %arg0, %c0_i32 : i32, i32
  }
  func.func @transform_2(%arg0: i32) -> (i32, i32) {
    %c0_i32 = arith.constant 0 : i32
    %c0_i32_0 = arith.constant 0 : i32
    return %arg0, %c0_i32 : i32, i32
  }
}

module attributes {stable_mosaic.version = 14 : i64} {
  func.func @tc1b(%arg0: i32, %arg1: memref<2000x128xf32, #tpu.memory_space<vmem>>, %arg2: memref<8x128xf32, #tpu.memory_space<vmem>>, %arg3: memref<2x2000x128xf32, #tpu.memory_space<vmem>>, %arg4: memref<1x128xf32, #tpu.memory_space<vmem>>, %arg5: memref<1x128xf32, #tpu.memory_space<vmem>>, %arg6: memref<128x128xf32, #tpu.memory_space<vmem>>, %arg7: memref<128x128xf32, #tpu.memory_space<vmem>>, %arg8: memref<128x128xf32, #tpu.memory_space<vmem>>, %arg9: memref<1x128xf32, #tpu.memory_space<vmem>>, %arg10: memref<2000x128xf32, #tpu.memory_space<vmem>>, %arg11: memref<2000x128xf32, #tpu.memory_space<vmem>>) attributes {dimension_semantics = [#tpu.dimension_semantics<arbitrary>], iteration_bounds = array<i64: 5>, scalar_prefetch = 0 : i64, scratch_operands = 0 : i64, tpu.core_type = #tpu.core_type<tc>, window_params = [{transform_indices = @transform_0, window_bounds = array<i64: 2000, 128>}, {pipeline_mode = #tpu.pipeline_mode<synchronous>, transform_indices = @transform_1, window_bounds = array<i64: 8, 128>}, {transform_indices = @transform_2, window_bounds = array<i64: 2, 2000, 128>}, {pipeline_mode = #tpu.pipeline_mode<synchronous>, transform_indices = @transform_3, window_bounds = array<i64: 1, 128>}, {pipeline_mode = #tpu.pipeline_mode<synchronous>, transform_indices = @transform_4, window_bounds = array<i64: 1, 128>}, {pipeline_mode = #tpu.pipeline_mode<synchronous>, transform_indices = @transform_5, window_bounds = array<i64: 128, 128>}, {pipeline_mode = #tpu.pipeline_mode<synchronous>, transform_indices = @transform_6, window_bounds = array<i64: 128, 128>}, {pipeline_mode = #tpu.pipeline_mode<synchronous>, transform_indices = @transform_7, window_bounds = array<i64: 128, 128>}, {pipeline_mode = #tpu.pipeline_mode<synchronous>, transform_indices = @transform_8, window_bounds = array<i64: 1, 128>}, {transform_indices = @transform_9, window_bounds = array<i64: 2000, 128>}, {transform_indices = @transform_10, window_bounds = array<i64: 2000, 128>}]} {
    %get3A = arith.constant 0 : index
    %get3A_0 = arith.constant 0 : index
    %get3A_1 = vector.load %arg2[%get3A, %get3A_0] : memref<8x128xf32, #tpu.memory_space<vmem>>, vector<1x128xf32>
    %mul3A = arith.constant 9.99999974E-5 : f32
    %mul3A_2 = vector.broadcast %mul3A : f32 to vector<1x128xf32>
    %mul3A_3 = arith.mulf %get3A_1, %mul3A_2 : vector<1x128xf32>
    %get3A_4 = arith.constant 1 : index
    %get3A_5 = arith.constant 0 : index
    %get3A_6 = vector.load %arg2[%get3A_4, %get3A_5] : memref<8x128xf32, #tpu.memory_space<vmem>>, vector<1x128xf32>
    %mul3A_7 = arith.constant 9.99999974E-5 : f32
    %mul3A_8 = vector.broadcast %mul3A_7 : f32 to vector<1x128xf32>
    %mul3A_9 = arith.mulf %get3A_6, %mul3A_8 : vector<1x128xf32>
    %mul3A_10 = arith.mulf %mul3A_3, %mul3A_3 : vector<1x128xf32>
    %sub3A = arith.subf %mul3A_9, %mul3A_10 : vector<1x128xf32>
    %get3A_11 = arith.constant 0 : index
    %get3A_12 = arith.constant 0 : index
    %get3A_13 = vector.load %arg4[%get3A_11, %get3A_12] : memref<1x128xf32, #tpu.memory_space<vmem>>, vector<1x128xf32>
    %add3A = arith.constant 9.99999974E-6 : f32
    %add3A_14 = vector.broadcast %add3A : f32 to vector<1x128xf32>
    %add3A_15 = arith.addf %sub3A, %add3A_14 : vector<1x128xf32>
    %rsqrt3A = math.rsqrt %add3A_15 : vector<1x128xf32>
    %mul3A_16 = arith.mulf %get3A_13, %rsqrt3A : vector<1x128xf32>
    %get3A_17 = arith.constant 0 : index
    %get3A_18 = arith.constant 0 : index
    %get3A_19 = vector.load %arg5[%get3A_17, %get3A_18] : memref<1x128xf32, #tpu.memory_space<vmem>>, vector<1x128xf32>
    %mul3A_20 = arith.mulf %mul3A_3, %mul3A_16 : vector<1x128xf32>
    %sub3A_21 = arith.subf %get3A_19, %mul3A_20 : vector<1x128xf32>
    %get3A_22 = arith.constant 0 : index
    %get3A_23 = arith.constant 0 : index
    %get3A_24 = vector.load %arg1[%get3A_22, %get3A_23] : memref<2000x128xf32, #tpu.memory_space<vmem>>, vector<2000x128xf32>
    %mul3A_25 = vector.broadcast %mul3A_16 : vector<1x128xf32> to vector<2000x128xf32>
    %mul3A_26 = arith.mulf %get3A_24, %mul3A_25 : vector<2000x128xf32>
    %add3A_27 = vector.broadcast %sub3A_21 : vector<1x128xf32> to vector<2000x128xf32>
    %add3A_28 = arith.addf %mul3A_26, %add3A_27 : vector<2000x128xf32>
    %max3A = arith.constant 0.000000e+00 : f32
    %max3A_29 = vector.broadcast %max3A : f32 to vector<2000x128xf32>
    %max3A_30 = arith.maximumf %add3A_28, %max3A_29 : vector<2000x128xf32>
    %get3A_31 = arith.constant 0 : index
    %get3A_32 = arith.constant 0 : index
    %get3A_33 = arith.constant 0 : index
    %get3A_34 = vector.load %arg3[%get3A_31, %get3A_32, %get3A_33] : memref<2x2000x128xf32, #tpu.memory_space<vmem>>, vector<1x2000x128xf32>
    %get3A_35 = vector.shape_cast %get3A_34 : vector<1x2000x128xf32> to vector<2000x128xf32>
    %get3A_36 = arith.constant 1 : index
    %get3A_37 = arith.constant 0 : index
    %get3A_38 = arith.constant 0 : index
    %get3A_39 = vector.load %arg3[%get3A_36, %get3A_37, %get3A_38] : memref<2x2000x128xf32, #tpu.memory_space<vmem>>, vector<1x2000x128xf32>
    %get3A_40 = vector.shape_cast %get3A_39 : vector<1x2000x128xf32> to vector<2000x128xf32>
    %add3A_41 = arith.addf %get3A_35, %get3A_40 : vector<2000x128xf32>
    %slice3A = vector.extract_strided_slice %add3A_41 {offsets = [0, 16], sizes = [2000, 1], strides = [1, 1]} : vector<2000x128xf32> to vector<2000x1xf32>
    %add3A_42 = arith.constant 1.000000e+00 : f32
    %add3A_43 = vector.broadcast %add3A_42 : f32 to vector<2000x1xf32>
    %add3A_44 = arith.addf %slice3A, %add3A_43 : vector<2000x1xf32>
    %get3A_45 = arith.constant 0 : index
    %get3A_46 = arith.constant 0 : index
    %get3A_47 = vector.load %arg7[%get3A_45, %get3A_46] : memref<128x128xf32, #tpu.memory_space<vmem>>, vector<128x128xf32>
    %dot_general3A = arith.constant dense<0.000000e+00> : vector<2000x128xf32>
    %dot_general3A_48 = tpu.matmul %max3A_30, %get3A_47, %dot_general3A {dimension_numbers = #tpu.dot_dimension_numbers<[1], [0], [0], [1], [0, 0, 1, 1], [], []>, transpose_lhs_hint = false} : vector<2000x128xf32>, vector<128x128xf32>, vector<2000x128xf32> -> vector<2000x128xf32>
    %swap3A = arith.constant 0 : index
    %swap3A_49 = arith.constant 0 : index
    %swap3A_50 = vector.load %arg10[%swap3A, %swap3A_49] : memref<2000x128xf32, #tpu.memory_space<vmem>>, vector<2000x128xf32>
    tpu.vector_store %arg10[%swap3A, %swap3A_49], %dot_general3A_48 {strides = array<i32>} : memref<2000x128xf32, #tpu.memory_space<vmem>>, vector<2000x128xf32>,
    %get3A_51 = arith.constant 0 : index
    %get3A_52 = arith.constant 0 : index
    %get3A_53 = vector.load %arg6[%get3A_51, %get3A_52] : memref<128x128xf32, #tpu.memory_space<vmem>>, vector<128x128xf32>
    %dot_general3A_54 = arith.constant dense<0.000000e+00> : vector<2000x128xf32>
    %dot_general3A_55 = tpu.matmul %max3A_30, %get3A_53, %dot_general3A_54 {dimension_numbers = #tpu.dot_dimension_numbers<[1], [0], [0], [1], [0, 0, 1, 1], [], []>, transpose_lhs_hint = false} : vector<2000x128xf32>, vector<128x128xf32>, vector<2000x128xf32> -> vector<2000x128xf32>
    %mul3A_56 = vector.broadcast %add3A_44 : vector<2000x1xf32> to vector<2000x128xf32>
    %mul3A_57 = arith.mulf %mul3A_56, %dot_general3A_55 : vector<2000x128xf32>
    %add3A_58 = arith.addf %mul3A_57, %dot_general3A_48 : vector<2000x128xf32>
    %get3A_59 = arith.constant 0 : index
    %get3A_60 = arith.constant 0 : index
    %get3A_61 = vector.load %arg8[%get3A_59, %get3A_60] : memref<128x128xf32, #tpu.memory_space<vmem>>, vector<128x128xf32>
    %dot_general3A_62 = arith.constant dense<0.000000e+00> : vector<2000x128xf32>
    %dot_general3A_63 = tpu.matmul %add3A_41, %get3A_61, %dot_general3A_62 {dimension_numbers = #tpu.dot_dimension_numbers<[1], [0], [0], [1], [0, 0, 1, 1], [], []>, transpose_lhs_hint = false} : vector<2000x128xf32>, vector<128x128xf32>, vector<2000x128xf32> -> vector<2000x128xf32>
    %add3A_64 = arith.addf %add3A_58, %dot_general3A_63 : vector<2000x128xf32>
    %get3A_65 = arith.constant 0 : index
    %get3A_66 = arith.constant 0 : index
    %get3A_67 = vector.load %arg9[%get3A_65, %get3A_66] : memref<1x128xf32, #tpu.memory_space<vmem>>, vector<1x128xf32>
    %add3A_68 = vector.broadcast %get3A_67 : vector<1x128xf32> to vector<2000x128xf32>
    %add3A_69 = arith.addf %add3A_64, %add3A_68 : vector<2000x128xf32>
    %swap3A_70 = arith.constant 0 : index
    %swap3A_71 = arith.constant 0 : index
    %swap3A_72 = vector.load %arg11[%swap3A_70, %swap3A_71] : memref<2000x128xf32, #tpu.memory_space<vmem>>, vector<2000x128xf32>
    tpu.vector_store %arg11[%swap3A_70, %swap3A_71], %add3A_69 {strides = array<i32>} : memref<2000x128xf32, #tpu.memory_space<vmem>>, vector<2000x128xf32>,
    return
  }
  func.func @transform_0(%arg0: i32) -> (i32, i32) {
    %c0_i32 = arith.constant 0 : i32
    %c0_i32_0 = arith.constant 0 : i32
    return %arg0, %c0_i32 : i32, i32
  }
  func.func @transform_1(%arg0: i32) -> (i32, i32) {
    %c0_i32 = arith.constant 0 : i32
    %c0_i32_0 = arith.constant 0 : i32
    %c0_i32_1 = arith.constant 0 : i32
    return %c0_i32, %c0_i32_0 : i32, i32
  }
  func.func @transform_2(%arg0: i32) -> (i32, i32, i32) {
    %c0_i32 = arith.constant 0 : i32
    %c0_i32_0 = arith.constant 0 : i32
    %c0_i32_1 = arith.constant 0 : i32
    return %c0_i32, %arg0, %c0_i32_0 : i32, i32, i32
  }
  func.func @transform_3(%arg0: i32) -> (i32, i32) {
    %c0_i32 = arith.constant 0 : i32
    %c0_i32_0 = arith.constant 0 : i32
    %c0_i32_1 = arith.constant 0 : i32
    return %c0_i32, %c0_i32_0 : i32, i32
  }
  func.func @transform_4(%arg0: i32) -> (i32, i32) {
    %c0_i32 = arith.constant 0 : i32
    %c0_i32_0 = arith.constant 0 : i32
    %c0_i32_1 = arith.constant 0 : i32
    return %c0_i32, %c0_i32_0 : i32, i32
  }
  func.func @transform_5(%arg0: i32) -> (i32, i32) {
    %c0_i32 = arith.constant 0 : i32
    %c0_i32_0 = arith.constant 0 : i32
    %c0_i32_1 = arith.constant 0 : i32
    return %c0_i32, %c0_i32_0 : i32, i32
  }
  func.func @transform_6(%arg0: i32) -> (i32, i32) {
    %c0_i32 = arith.constant 0 : i32
    %c0_i32_0 = arith.constant 0 : i32
    %c0_i32_1 = arith.constant 0 : i32
    return %c0_i32, %c0_i32_0 : i32, i32
  }
  func.func @transform_7(%arg0: i32) -> (i32, i32) {
    %c0_i32 = arith.constant 0 : i32
    %c0_i32_0 = arith.constant 0 : i32
    %c0_i32_1 = arith.constant 0 : i32
    return %c0_i32, %c0_i32_0 : i32, i32
  }
  func.func @transform_8(%arg0: i32) -> (i32, i32) {
    %c0_i32 = arith.constant 0 : i32
    %c0_i32_0 = arith.constant 0 : i32
    %c0_i32_1 = arith.constant 0 : i32
    return %c0_i32, %c0_i32_0 : i32, i32
  }
  func.func @transform_9(%arg0: i32) -> (i32, i32) {
    %c0_i32 = arith.constant 0 : i32
    %c0_i32_0 = arith.constant 0 : i32
    return %arg0, %c0_i32 : i32, i32
  }
  func.func @transform_10(%arg0: i32) -> (i32, i32) {
    %c0_i32 = arith.constant 0 : i32
    %c0_i32_0 = arith.constant 0 : i32
    return %arg0, %c0_i32 : i32, i32
  }
}

</mosaic_0001>

<sc_bundles>
// kernel: kernel.11.cloned.1.call-start
scs
__scs_entry_jumppad:
0x0: {  	(pc) =	sbr.rel $0x88, $3  }
0x1: {  	(tag) =	ssettag $0x0;
	lr =	simm.s32 $0x1  }
0x2: {  	[smem:$0x3F98] =	sst lr;
	_ =	strace $0xD0000000  }
0x3: {  	_ = 	snop  }
0x4: {  	_ = 	snop  }
0x5: {  	_ = 	snop  }
0x6: {  	_ = 	snop  }
0x7: {  	_ = 	snop  }
__scs_overlays_trampoline_lowered:
0x8: {  	[smem:$0x3FA7] =	sst s0  }
0x9: {  	[smem:$0x3FA8] =	sst s1  }
0xa: {  	[smem:$0x3FA9] =	sst s2  }
0xb: {  	[smem:$0x3FAA] =	sst s3  }
0xc: {  	[smem:$0x3FAB] =	sst s4  }
0xd: {  	[smem:$0x3FAC] =	sst s5  }
0xe: {  	[smem:$0x3FAD] =	sst s6  }
0xf: {  	[smem:$0x3FAE] =	sst s7  }
0x10: {  	[smem:$0x3FAF] =	sst s8  }
0x11: {  	[smem:$0x3FB0] =	sst s9;
	s0 =	simm.s32 @!p0 $0x0  }
0x12: {  	s1 =	sld [smem:$0x3F96];
	s0 =	simm.s32 @p0 $0x1  }
0x13: {  	[smem:$0x3FB1] =	sst s0;
	s0 =	simm.s32 @!p1 $0x0  }
0x14: {  	s2 =	sld [smem:$0x3F95];
	s0 =	simm.s32 @p1 $0x1  }
0x15: {  	[smem:$0x3FB2] =	sst s0;
	s0 =	simm.s32 @!p2 $0x0  }
0x16: {  	s3 =	sld [smem:$0x3FDB];
	s0 =	simm.s32 @p2 $0x1  }
0x17: {  	s4 =	simm.s32 $0x1BF5;
	[smem:$0x3FB4] =	sst s0  }
0x18: {  	s0 =	sld [smem:$0x3F97];
	_ =	swait.ge [sflag:s4], $0x0  }
0x19: {  	s7 =	sld [smem:$0x3F98]  }
0x1a: {  	s8 =	sadd.s32 $0xFFFFE003, lr  }
0x1b: {  	s9 =	sadd.s32 $0xFFFFFEF7, lr;
	s5 =	simm.s32 $0xFFFFFFFF;
	p2 =	slt.u32 s8, $0xFFFFF086  }
0x1c: {  	p1 =	slt.u32 s9, $0xF7A;
	s5 =	simm.s32 @!p2 $0x0  }
0x1d: {  	s5 =	simm.s32 @p1 $0x1;
	p0 =	seq.s32 s7, s2  }
0x1e: {  	s7 =	smul.u32 @!p0 $0xF7A, s2;
	p2 =	seq.s32 @!p0 s5, $0x0  }
0x1f: {  	s9 =	smul.u32 $0xF7A, s1;
	s8 =	simm.s32 @!p0 $0x1BF5;
	p2 =	por !p2, p0  }
0x20: {  	[sflag:s8] =	ssyncset.s32 @!p0 $0xFFFFF086;
	s6 =	sadd.s32 @!p0 s3, s7;
	s7 =	simm.s32 @!p0 $0x108  }
0x21: {  	s3 =	sadd.s32 s3, s9;
	s6 =	sadd.s32 @!p0 $0x88, s6;
	s7 =	simm.s32 @p2 $0x1082  }
0x22: {  	[simem:s7], [sflag:s8] =	dma.local @!p0 [hbm:s6], $0xF7A  }
0x23: {  	s9 =	sor.u32 $0xD0000000, s2;
	s6 =	simm.s32 $0x108;
	_ =	swait.ge @!p0 [sflag:s8], $0x0  }
0x24: {  	s3 =	sadd.s32 $0x88, s3;
	s6 =	simm.s32 @!p1 $0x1082;
	[sflag:s4] =	ssyncset.s32 $0xFFFFF086  }
0x25: {  	[simem:s6], [sflag:s4] =	dma.local [hbm:s3], $0xF7A  }
0x26: {  	[smem:$0x3F98] =	sst s1;
	(tag) =	ssettag s2;
	_ =	strace s9  }
0x27: {  	s1 =	sld [smem:$0x3FA8]  }
0x28: {  	s2 =	sld [smem:$0x3FA9]  }
0x29: {  	s4 =	sld [smem:$0x3FAB]  }
0x2a: {  	p0 =	seq.s32 s5, $0x0;
	s5 =	sld [smem:$0x3FAC]  }
0x2b: {  	s6 =	sld [smem:$0x3FAD]  }
0x2c: {  	s7 =	sld [smem:$0x3FAE]  }
0x2d: {  	s3 =	simm.s32 $0x108;
	s8 =	sld [smem:$0x3FAF]  }
0x2e: {  	s3 =	simm.s32 @!p0 $0x1082;
	s9 =	sld [smem:$0x3FB0]  }
0x2f: {  	lr =	sadd.s32 s0, s3;
	s0 =	sld [smem:$0x3FA7]  }
0x30: {  	s3 =	sld [smem:$0x3FAA]  }
0x31: {  	[smem:$0x3FB3] =	sst s10  }
0x32: {  	s10 =	sld [smem:$0x3FB1];
	_ =	sdelay $0x3  }
0x33: {  	p0 =	seq.s32 s10, $0x1;
	s10 =	sld [smem:$0x3FB3];
	_ =	sdelay $0x3  }
0x34: {  	[smem:$0x3FB3] =	sst s10  }
0x35: {  	s10 =	sld [smem:$0x3FB2];
	_ =	sdelay $0x3  }
0x36: {  	p1 =	seq.s32 s10, $0x1;
	s10 =	sld [smem:$0x3FB3];
	_ =	sdelay $0x3  }
0x37: {  	[smem:$0x3FB3] =	sst s10  }
0x38: {  	s10 =	sld [smem:$0x3FB4]  }
0x39: {  	_ = 	snop;
	(pc) =	sbr.ind lr, $3  }
0x3a: {  	_ = 	snop  }
0x3b: {  	_ = 	snop  }
0x3c: {  	p2 =	seq.s32 s10, $0x1;
	s10 =	sld [smem:$0x3FB3]  }
0x3d: {  	_ =	shalt  }
0x3e: {  	_ =	shalt  }
0x3f: {  	_ =	shalt  }
0x40: {  	_ =	shalt  }
0x41: {  	_ =	shalt  }
0x42: {  	_ =	shalt  }
0x43: {  	_ =	shalt  }
0x44: {  	_ =	shalt  }
0x45: {  	_ =	shalt  }
0x46: {  	_ =	shalt  }
0x47: {  	_ =	shalt  }
0x48: {  	_ =	shalt  }
0x49: {  	_ =	shalt  }
0x4a: {  	_ =	shalt  }
0x4b: {  	_ =	shalt  }
0x4c: {  	_ =	shalt  }
0x4d: {  	_ =	shalt  }
0x4e: {  	_ =	shalt  }
0x4f: {  	_ =	shalt  }
0x50: {  	_ =	shalt  }
0x51: {  	_ =	shalt  }
0x52: {  	_ =	shalt  }
0x53: {  	_ =	shalt  }
0x54: {  	_ =	shalt  }
0x55: {  	_ =	shalt  }
0x56: {  	_ =	shalt  }
0x57: {  	_ =	shalt  }
0x58: {  	_ =	shalt  }
0x59: {  	_ =	shalt  }
0x5a: {  	_ =	shalt  }
0x5b: {  	_ =	shalt  }
0x5c: {  	_ =	shalt  }
0x5d: {  	_ =	shalt  }
0x5e: {  	_ =	shalt  }
0x5f: {  	_ =	shalt  }
0x60: {  	_ =	shalt  }
0x61: {  	_ =	shalt  }
0x62: {  	_ =	shalt  }
0x63: {  	_ =	shalt  }
0x64: {  	_ =	shalt  }
0x65: {  	_ =	shalt  }
0x66: {  	_ =	shalt  }
0x67: {  	_ =	shalt  }
0x68: {  	_ =	shalt  }
0x69: {  	_ =	shalt  }
0x6a: {  	_ =	shalt  }
0x6b: {  	_ =	shalt  }
0x6c: {  	_ =	shalt  }
0x6d: {  	_ =	shalt  }
0x6e: {  	_ =	shalt  }
0x6f: {  	_ =	shalt  }
0x70: {  	_ =	shalt  }
0x71: {  	_ =	shalt  }
0x72: {  	_ =	shalt  }
0x73: {  	_ =	shalt  }
0x74: {  	_ =	shalt  }
0x75: {  	_ =	shalt  }
0x76: {  	_ =	shalt  }
0x77: {  	_ =	shalt  }
0x78: {  	_ =	shalt  }
0x79: {  	_ =	shalt  }
0x7a: {  	_ =	shalt  }
0x7b: {  	_ =	shalt  }
0x7c: {  	_ =	shalt  }
0x7d: {  	_ =	shalt  }
0x7e: {  	_ =	shalt  }
0x7f: {  	_ =	shalt  }
0x80: {  	_ =	shalt  }
0x81: {  	_ =	shalt  }
0x82: {  	_ =	shalt  }
0x83: {  	_ =	shalt  }
0x84: {  	_ =	shalt  }
0x85: {  	_ =	shalt  }
0x86: {  	_ =	shalt  }
0x87: {  	_ =	shalt  }
.Lfunc_end0:
.L_simem_size_0:
called_computation.1_lowered:
.L_overlay_start_0:
0x88: {  	s2 =	sld [smem:$0x3FD9]  }
0x89: {  	s3 =	sld [smem:$0x3FFE];
	_ =	sdelay $0x1  }
0x8a: {  	s1 =	srdreg.scid  }
0x8b: {  	s0 =	sand.u32 $0x1, s1  }
0x8c: {  	s16 =	sshll.u32 s0, $0xA;
	s2 =	sadd.s32 s3, s2  }
0x8d: {  	s2 =	sadd.s32 s2, s16  }
0x8e: {  	[smem:$0x3FBF] =	sst s2  }
0x8f: {  	_ = 	snop  }
0x90: {  	(tm) =	ssettm $0x1  }
0x91: {  	s17 =	sld [smem:$0x3FFB];
	_ =	sdelay $0x3  }
0x92: {  	_ =	strace s17  }
0x93: {  	s2 =	sld [smem:$0x3FFC];
	_ =	sdelay $0x3  }
0x94: {  	_ =	strace s2  }
0x95: {  	s2 =	sld [smem:$0x3FFD];
	_ =	sdelay $0x3  }
0x96: {  	_ =	strace s2  }
0x97: {  	_ =	strace $0x8FFFFFFF  }
0x98: {  	s18 =	sld [smem:$0x3FDB];
	_ =	sdelay $0x1  }
0x99: {  	s19 =	simm.s32 $_scs_section_size  }
0x9a: {  	s4 =	simm.s32 $_size__tile_overlayer_lowered;
	s5 =	simm.s32 $_tile_overlayer_lowered  }
0x9b: {  	s22 =	simm.s32 $0x1BFF;
	s21 =	sshll.u32 s5, $0x1;
	s2 =	sadd.s32 s19, s18  }
0x9c: {  	s6 =	simm.s32 $0x0;
	s20 =	sshll.u32 s4, $0x1;
	s4 =	sadd.s32 s21, s2  }
0x9d: {  	[timem:s6], [sflag:s22] =	dma.local [hbm:s4], s20  }
0x9e: {  	_ =	swait.ge [sflag:s22], s20  }
0x9f: {  	s3 =	ssub.s32 $0x0, s20;
	[sflag:s22] =	ssyncset.done $0x0  }
0xa0: {  	[sflag:s22] =	ssyncadd.s32 s3;
	_ =	sdelay $0x1  }
0xa1: {  	s23 =	simm.s32 $0x1B8B  }
0xa2: {  	_ =	swait.ge [sflag:s23], $0x1  }
0xa3: {  	[sflag:s23] =	ssyncset.done $0x0  }
0xa4: {  	s25 =	simm.s32 $0x1B8E;
	s24 =	sld [smem:$0x3FFE];
	[sflag:s23] =	ssyncadd.s32 $0xFFFFFFFF  }
0xa5: {  	s26 =	simm.s32 $execute0_lowered;
	[smem:$0x3FD2] =	sst s25  }
0xa6: {  	s4 =	sshll.u32 s26, $0x1;
	_ =	strace $0x80000046;
	[dreg:$0x1] =	wrdreg $0xFFFFFFFF  }
0xa7: {  	s28 =	simm.s32 $_size_execute0_lowered;
	s2 =	sadd.s32 s2, s4;
	[dreg:$0x0] =	wrdreg $0x0  }
0xa8: {  	s4 =	sshll.u32 s28, $0x1;
	[dreg:$0x2] =	wrdreg s2  }
0xa9: {  	[dreg:$0x3] =	wrdreg s4  }
0xaa: {  	[dreg:$0x4] =	wrdreg $0xC0  }
0xab: {  	_ =	task [dreg:s6], $0x5FFFF  }
0xac: {  	[dreg:$0x1] =	wrdreg $0xFFFFFFFF  }
0xad: {  	[dreg:$0x0] =	wrdreg $0x60  }
0xae: {  	[dreg:$0x2] =	wrdreg s24  }
0xaf: {  	[dreg:$0x3] =	wrdreg $0x0  }
0xb0: {  	[dreg:$0x4] =	wrdreg $0xA  }
0xb1: {  	_ =	task.clear_ibuf [dreg:s6], $0x5FFFF;
	_ =	strace $0x90000046  }
0xb2: {  	s29 =	simm.s32 $0xA;
	_ =	strace $0x80000048  }
0xb3: {  	_ =	swait.ge [sflag:s29], $0x1  }
0xb4: {  	[sflag:s29] =	ssyncadd.s32 $0xFFFFFFFF  }
0xb5: {  	_ =	strace $0x90000048  }
0xb6: {  	_ =	sfence  }
0xb7: {  	s30 =	sld [smem:$0x0];
	_ =	sdelay $0x2  }
0xb8: {  	s31 =	sshll.u32 s1, $0xD;
	s1 =	sshrl.u32 s1, $0x2  }
0xb9: {  	s3 =	sand.u32 $0x4000, s31;
	s1 =	sadd.s32 s1, s30  }
0xba: {  	s0 =	sor.u32 s3, s0;
	s1 =	sshll.u32 s1, $0x11  }
0xbb: {  	s0 =	sor.u32 s1, s0  }
0xbc: {  	s0 =	sadd.s32 $0x8F2B, s0  }
0xbd: {  	[sflag:s0] =	ssyncadd.remote.s32 $0x1  }
0xbe: {  	_ =	sfence.sel $0xFFFF  }
0xbf: {  	[dreg:$0x0] =	wrdreg $0xFFFFFFFF;
	(pc) =	sbr.abs _section_cstart, $3  }
0xc0: {  	[dreg:$0x1] =	wrdreg $0xFFFFFFFF  }
0xc1: {  	_ =	task.clear_ibuf [dreg:s6], $0x2FFFF;
	_ =	strace $0x9FFFFFFF  }
0xc2: {  	(tm) =	ssettm $0x7FFFFFFF  }
0xc3: {  	_ =	shalt  }
tec
execute0_lowered:
.L_overlay_start_1:
0x0: {  	(tag) =	ssettag $0x1  }
0x1: {  	s3 =	rddreg [dreg:$0x0]  }
0x2: {  	s1 =	rddreg [dreg:$0x1]  }
0x3: {  	s0 =	rddreg [dreg:$0x2];
	s8 =	stileid.u32  }
0x4: {  	s2 =	simm.s32 $0x0;
	s5 =	srdreg.scid;
	s4 =	smul.u32 $0x4E800, s8  }
0x5: {  	s13 =	simm.s32 $0x0;
	s6 =	smul.u32 $0x13A0, s8;
	s5 =	sand.u32 $0x1, s5  }
0x6: {  	[smem:$0x7FF] =	sst s2;
	p0 =	sne.s32 s8, $0x0;
	s29 =	smul.u32 $0x27800, s5  }
0x7: {  	_ =	strace $0x80000047;
	s9 =	ssub.s32 $0x2, s5;
	s10 =	smul.u32 $0x27400, s5  }
0x8: {  	s12 =	smul.u32 $0x9D0, s5;
	s8 =	sshrl.u32 @!p0 s1, $0x3;
	s7 =	sadd.s32 s4, s3  }
0x9: {  	s6 =	sadd.s32 s6, s3;
	s11 =	sshrl.u32 s9, $0x1;
	s4 =	sadd.s32 s29, s3  }
0xa: {  	s3 =	sadd.s32 $0x15E00, s3;
	s30 =	ssub.s32 s9, s11;
	s7 =	sadd.s32 s10, s7  }
0xb: {  	s31 =	sadd.s32 s12, s6;
	s9 =	simm.s32 $0x13C00;
	s10 =	simm.s32 $0x1  }
0xc: {  	s11 =	simm.s32 $0x13C80;
	s12 =	simm.s32 $0x40;
	s4 =	sadd.s32 $0x3D600, s4  }
0xd: {  	s5 =	smax.u32 s30, $0x1;
	s6 =	sadd.s32 $0x9DA000, s7;
	s7 =	sadd.s32 $0x2400, s31  }
.LBB2_1:
0xe: {  	s14 =	simm.s32 @!p0 $0x1C01  }
0xf: {  	[spmem:s8], [sflag:s14] =	dma.local @!p0 [hbm:s3], $0x27800  }
0x10: {  	s14 =	simm.s32 @!p0 $0x1  }
0x11: {  	_ =	swait.ge @!p0 [sflag:s14], $0x27800  }
0x12: {  	[sflag:s14] =	ssyncset.done @!p0 $0x0  }
0x13: {  	[sflag:s14] =	ssyncadd.s32 @!p0 $0xFFFD8800  }
0x14: {  	s31 =	sadd.s32 $0x0, s7;
	[bflag:$0x0] =	sbarrier.arrive $0xFFFF  }
0x15: {  	[tilespmem:s9], [sflag:$0x1] =	stream.linear.gather [hbm4b:s31+s2], $0x80, $0x38;
	[tilespmem:$0x15C80] =	vst v63  }
0x16: {  	_ =	swait.ge [sflag:s10], $0x80  }
0x17: {  	[sflag:s10] =	ssyncset.done $0x0  }
0x18: {  	[sflag:s10] =	ssyncadd.s32 $0xFFFFFF80  }
0x19: {  	[tilespmem:s11], [sflag:$0x1] =	stream.linear.gather [hbm4b:s6+s2], $0x2000, $0x38;
	[tilespmem:$0x15C80] =	vst v63  }
0x1a: {  	_ =	swait.ge [sflag:s10], $0x2000  }
0x1b: {  	[sflag:s10] =	ssyncset.done $0x0  }
0x1c: {  	[sflag:s10] =	ssyncadd.s32 $0xFFFFE000  }
0x1d: {  	[spmem:s1] =	stream.indirect.scatter.add.f32 [tilespmem:s11], [sflag:$0x1], $0x80, s9, s12, $0xb8;
	[tilespmem:$0x15C80] =	vst v63  }
0x1e: {  	s15 =	simm.s32 $0x10;
	_ =	swait.ge [sflag:s10], $0x2000  }
0x1f: {  	s16 =	simm.s32 $0x20;
	s14 =	sadd.s32 $0x400, s6;
	[sflag:s10] =	ssyncset.done $0x0  }
.LBB2_2:
0x20: {  	s17 =	sadd.s32 s15, s7  }
0x21: {  	[sflag:s10] =	ssyncadd.s32 $0xFFFFE000;
	s15 =	smov.u32 s16;
	s18 =	sadd.s32 $0x10, s16  }
0x22: {  	[tilespmem:s9], [sflag:$0x1] =	stream.linear.gather [hbm4b:s17+s2], $0x80, $0x38;
	[tilespmem:$0x15C80] =	vst v63  }
0x23: {  	p1 =	sne.s32 s16, $0x9C0;
	_ =	swait.ge [sflag:s10], $0x80  }
0x24: {  	[sflag:s10] =	ssyncset.done $0x0  }
0x25: {  	[sflag:s10] =	ssyncadd.s32 $0xFFFFFF80  }
0x26: {  	[tilespmem:s11], [sflag:$0x1] =	stream.linear.gather [hbm4b:s14+s2], $0x2000, $0x38;
	[tilespmem:$0x15C80] =	vst v63  }
0x27: {  	_ =	swait.ge [sflag:s10], $0x2000  }
.Ltmp0:
0x28: {  	[sflag:s10] =	ssyncset.done $0x0;
	(pc) =	sbr.rel @p1 .LBB2_2-.Ltmp0, $4  }
0x29: {  	[sflag:s10] =	ssyncadd.s32 $0xFFFFE000  }
0x2a: {  	[spmem:s1] =	stream.indirect.scatter.add.f32 [tilespmem:s11], [sflag:$0x1], $0x80, s9, s12, $0xb8;
	[tilespmem:$0x15C80] =	vst v63  }
0x2b: {  	_ =	swait.ge [sflag:s10], $0x2000  }
0x2c: {  	s16 =	smov.u32 s18;
	s14 =	sadd.s32 $0x400, s14;
	[sflag:s10] =	ssyncset.done $0x0  }
0x2d: {  	s15 =	sadd.s32 s15, s7;
	[sflag:s10] =	ssyncadd.s32 $0xFFFFE000  }
0x2e: {  	[tilespmem:s9], [sflag:$0x1] =	stream.linear.gather [hbm4b:s15+s2], $0x80, $0x38;
	[tilespmem:$0x15C80] =	vst v63  }
0x2f: {  	_ =	swait.ge [sflag:s10], $0x80  }
0x30: {  	[sflag:s10] =	ssyncset.done $0x0  }
0x31: {  	[sflag:s10] =	ssyncadd.s32 $0xFFFFFF80  }
0x32: {  	[tilespmem:s11], [sflag:$0x1] =	stream.linear.gather [hbm4b:s14+s2], $0x2000, $0x38;
	[tilespmem:$0x15C80] =	vst v63  }
0x33: {  	_ =	swait.ge [sflag:s10], $0x2000  }
0x34: {  	[sflag:s10] =	ssyncset.done $0x0  }
0x35: {  	[sflag:s10] =	ssyncadd.s32 $0xFFFFE000  }
0x36: {  	[spmem:s1] =	stream.indirect.scatter.add.f32 [tilespmem:s11], [sflag:$0x1], $0x80, s9, s12, $0xb8;
	[tilespmem:$0x15C80] =	vst v63  }
0x37: {  	_ =	swait.ge [sflag:s10], $0x2000  }
0x38: {  	[sflag:s10] =	ssyncset.done $0x0  }
0x39: {  	s13 =	sadd.s32 $0x1, s13;
	[sflag:s10] =	ssyncadd.s32 $0xFFFFE000  }
0x3a: {  	p1 =	sne.s32 s13, s5;
	s14 =	simm.s32 @!p0 $0x1C01;
	[bflag:$0x0] =	sbarrier.arrive $0xFFFF  }
0x3b: {  	[hbm:s4], [sflag:s14] =	dma.local @!p0 [spmem:s8], $0x27800  }
.Ltmp1:
0x3c: {  	_ = 	snop;
	(pc) =	sbr.rel @p1 .LBB2_1-.Ltmp1, $4  }
0x3d: {  	s14 =	simm.s32 @!p0 $0x1  }
0x3e: {  	_ =	swait.ge @!p0 [sflag:s14], $0x27800  }
0x3f: {  	[sflag:s14] =	ssyncset.done @!p0 $0x0  }
0x40: {  	[sflag:s14] =	ssyncadd.s32 @!p0 $0xFFFD8800  }
0x41: {  	_ =	sfence.sel $0x180000  }
0x42: {  	[bflag:$0x0] =	sbarrier.arrive $0xFFFF  }
0x43: {  	_ =	strace $0x90000047  }
0x44: {  	s0 =	sadd.s32 @!p0 $0x100000, s0;
	[bflag:$0x2] =	sbarrier.arrive $0xFFFF  }
0x45: {  	[sflag:s0] =	ssyncadd.tile.s32 @!p0 $0x1;
	_ =	shalt  }
.Lfunc_end2:
_tile_overlayer_lowered:
.L_overlay_start_2:
0x46: {  	(tag) =	ssettag $0x2  }
0x47: {  	s0 =	rddreg [dreg:$0x0];
	s2 =	stileid.u32  }
0x48: {  	s1 =	rddreg [dreg:$0x1];
	p0 =	sne.s32 s2, $0x0  }
0x49: {  	s3 =	rddreg [dreg:$0x2];
	[bflag:$0x3] =	sbarrier.arrive $0xFFFF;
	s2 =	simm.s32 @!p0 $0x1C01  }
0x4a: {  	[timem:s3], [sflag:s2] =	dma.local @!p0 [hbm:s0], s1  }
0x4b: {  	s0 =	simm.s32 @!p0 $0x1  }
0x4c: {  	_ =	swait.ge @!p0 [sflag:s0], s1  }
0x4d: {  	s1 =	ssub.s32 @!p0 $0x0, s1;
	[sflag:s0] =	ssyncset.done @!p0 $0x0  }
0x4e: {  	[sflag:s0] =	ssyncadd.s32 @!p0 s1  }
0x4f: {  	[bflag:$0x3] =	sbarrier.arrive $0xFFFF  }
0x50: {  	_ =	shalt  }

// kernel: kernel.14.cloned.1.call-start
scs
__scs_entry_jumppad:
0x0: {  	(pc) =	sbr.rel $0x88, $3  }
0x1: {  	(tag) =	ssettag $0x0;
	lr =	simm.s32 $0x1  }
0x2: {  	[smem:$0x3F98] =	sst lr;
	_ =	strace $0xD0000000  }
0x3: {  	_ = 	snop  }
0x4: {  	_ = 	snop  }
0x5: {  	_ = 	snop  }
0x6: {  	_ = 	snop  }
0x7: {  	_ = 	snop  }
__scs_overlays_trampoline_lowered:
0x8: {  	[smem:$0x3FA7] =	sst s0  }
0x9: {  	[smem:$0x3FA8] =	sst s1  }
0xa: {  	[smem:$0x3FA9] =	sst s2  }
0xb: {  	[smem:$0x3FAA] =	sst s3  }
0xc: {  	[smem:$0x3FAB] =	sst s4  }
0xd: {  	[smem:$0x3FAC] =	sst s5  }
0xe: {  	[smem:$0x3FAD] =	sst s6  }
0xf: {  	[smem:$0x3FAE] =	sst s7  }
0x10: {  	[smem:$0x3FAF] =	sst s8  }
0x11: {  	[smem:$0x3FB0] =	sst s9;
	s0 =	simm.s32 @!p0 $0x0  }
0x12: {  	s1 =	sld [smem:$0x3F96];
	s0 =	simm.s32 @p0 $0x1  }
0x13: {  	[smem:$0x3FB1] =	sst s0;
	s0 =	simm.s32 @!p1 $0x0  }
0x14: {  	s2 =	sld [smem:$0x3F95];
	s0 =	simm.s32 @p1 $0x1  }
0x15: {  	[smem:$0x3FB2] =	sst s0;
	s0 =	simm.s32 @!p2 $0x0  }
0x16: {  	s3 =	sld [smem:$0x3FDB];
	s0 =	simm.s32 @p2 $0x1  }
0x17: {  	s4 =	simm.s32 $0x1BF5;
	[smem:$0x3FB4] =	sst s0  }
0x18: {  	s0 =	sld [smem:$0x3F97];
	_ =	swait.ge [sflag:s4], $0x0  }
0x19: {  	s7 =	sld [smem:$0x3F98]  }
0x1a: {  	s8 =	sadd.s32 $0xFFFFE003, lr  }
0x1b: {  	s9 =	sadd.s32 $0xFFFFFEF7, lr;
	s5 =	simm.s32 $0xFFFFFFFF;
	p2 =	slt.u32 s8, $0xFFFFF086  }
0x1c: {  	p1 =	slt.u32 s9, $0xF7A;
	s5 =	simm.s32 @!p2 $0x0  }
0x1d: {  	s5 =	simm.s32 @p1 $0x1;
	p0 =	seq.s32 s7, s2  }
0x1e: {  	s7 =	smul.u32 @!p0 $0xF7A, s2;
	p2 =	seq.s32 @!p0 s5, $0x0  }
0x1f: {  	s9 =	smul.u32 $0xF7A, s1;
	s8 =	simm.s32 @!p0 $0x1BF5;
	p2 =	por !p2, p0  }
0x20: {  	[sflag:s8] =	ssyncset.s32 @!p0 $0xFFFFF086;
	s6 =	sadd.s32 @!p0 s3, s7;
	s7 =	simm.s32 @!p0 $0x108  }
0x21: {  	s3 =	sadd.s32 s3, s9;
	s6 =	sadd.s32 @!p0 $0x88, s6;
	s7 =	simm.s32 @p2 $0x1082  }
0x22: {  	[simem:s7], [sflag:s8] =	dma.local @!p0 [hbm:s6], $0xF7A  }
0x23: {  	s9 =	sor.u32 $0xD0000000, s2;
	s6 =	simm.s32 $0x108;
	_ =	swait.ge @!p0 [sflag:s8], $0x0  }
0x24: {  	s3 =	sadd.s32 $0x88, s3;
	s6 =	simm.s32 @!p1 $0x1082;
	[sflag:s4] =	ssyncset.s32 $0xFFFFF086  }
0x25: {  	[simem:s6], [sflag:s4] =	dma.local [hbm:s3], $0xF7A  }
0x26: {  	[smem:$0x3F98] =	sst s1;
	(tag) =	ssettag s2;
	_ =	strace s9  }
0x27: {  	s1 =	sld [smem:$0x3FA8]  }
0x28: {  	s2 =	sld [smem:$0x3FA9]  }
0x29: {  	s4 =	sld [smem:$0x3FAB]  }
0x2a: {  	p0 =	seq.s32 s5, $0x0;
	s5 =	sld [smem:$0x3FAC]  }
0x2b: {  	s6 =	sld [smem:$0x3FAD]  }
0x2c: {  	s7 =	sld [smem:$0x3FAE]  }
0x2d: {  	s3 =	simm.s32 $0x108;
	s8 =	sld [smem:$0x3FAF]  }
0x2e: {  	s3 =	simm.s32 @!p0 $0x1082;
	s9 =	sld [smem:$0x3FB0]  }
0x2f: {  	lr =	sadd.s32 s0, s3;
	s0 =	sld [smem:$0x3FA7]  }
0x30: {  	s3 =	sld [smem:$0x3FAA]  }
0x31: {  	[smem:$0x3FB3] =	sst s10  }
0x32: {  	s10 =	sld [smem:$0x3FB1];
	_ =	sdelay $0x3  }
0x33: {  	p0 =	seq.s32 s10, $0x1;
	s10 =	sld [smem:$0x3FB3];
	_ =	sdelay $0x3  }
0x34: {  	[smem:$0x3FB3] =	sst s10  }
0x35: {  	s10 =	sld [smem:$0x3FB2];
	_ =	sdelay $0x3  }
0x36: {  	p1 =	seq.s32 s10, $0x1;
	s10 =	sld [smem:$0x3FB3];
	_ =	sdelay $0x3  }
0x37: {  	[smem:$0x3FB3] =	sst s10  }
0x38: {  	s10 =	sld [smem:$0x3FB4]  }
0x39: {  	_ = 	snop;
	(pc) =	sbr.ind lr, $3  }
0x3a: {  	_ = 	snop  }
0x3b: {  	_ = 	snop  }
0x3c: {  	p2 =	seq.s32 s10, $0x1;
	s10 =	sld [smem:$0x3FB3]  }
0x3d: {  	_ =	shalt  }
0x3e: {  	_ =	shalt  }
0x3f: {  	_ =	shalt  }
0x40: {  	_ =	shalt  }
0x41: {  	_ =	shalt  }
0x42: {  	_ =	shalt  }
0x43: {  	_ =	shalt  }
0x44: {  	_ =	shalt  }
0x45: {  	_ =	shalt  }
0x46: {  	_ =	shalt  }
0x47: {  	_ =	shalt  }
0x48: {  	_ =	shalt  }
0x49: {  	_ =	shalt  }
0x4a: {  	_ =	shalt  }
0x4b: {  	_ =	shalt  }
0x4c: {  	_ =	shalt  }
0x4d: {  	_ =	shalt  }
0x4e: {  	_ =	shalt  }
0x4f: {  	_ =	shalt  }
0x50: {  	_ =	shalt  }
0x51: {  	_ =	shalt  }
0x52: {  	_ =	shalt  }
0x53: {  	_ =	shalt  }
0x54: {  	_ =	shalt  }
0x55: {  	_ =	shalt  }
0x56: {  	_ =	shalt  }
0x57: {  	_ =	shalt  }
0x58: {  	_ =	shalt  }
0x59: {  	_ =	shalt  }
0x5a: {  	_ =	shalt  }
0x5b: {  	_ =	shalt  }
0x5c: {  	_ =	shalt  }
0x5d: {  	_ =	shalt  }
0x5e: {  	_ =	shalt  }
0x5f: {  	_ =	shalt  }
0x60: {  	_ =	shalt  }
0x61: {  	_ =	shalt  }
0x62: {  	_ =	shalt  }
0x63: {  	_ =	shalt  }
0x64: {  	_ =	shalt  }
0x65: {  	_ =	shalt  }
0x66: {  	_ =	shalt  }
0x67: {  	_ =	shalt  }
0x68: {  	_ =	shalt  }
0x69: {  	_ =	shalt  }
0x6a: {  	_ =	shalt  }
0x6b: {  	_ =	shalt  }
0x6c: {  	_ =	shalt  }
0x6d: {  	_ =	shalt  }
0x6e: {  	_ =	shalt  }
0x6f: {  	_ =	shalt  }
0x70: {  	_ =	shalt  }
0x71: {  	_ =	shalt  }
0x72: {  	_ =	shalt  }
0x73: {  	_ =	shalt  }
0x74: {  	_ =	shalt  }
0x75: {  	_ =	shalt  }
0x76: {  	_ =	shalt  }
0x77: {  	_ =	shalt  }
0x78: {  	_ =	shalt  }
0x79: {  	_ =	shalt  }
0x7a: {  	_ =	shalt  }
0x7b: {  	_ =	shalt  }
0x7c: {  	_ =	shalt  }
0x7d: {  	_ =	shalt  }
0x7e: {  	_ =	shalt  }
0x7f: {  	_ =	shalt  }
0x80: {  	_ =	shalt  }
0x81: {  	_ =	shalt  }
0x82: {  	_ =	shalt  }
0x83: {  	_ =	shalt  }
0x84: {  	_ =	shalt  }
0x85: {  	_ =	shalt  }
0x86: {  	_ =	shalt  }
0x87: {  	_ =	shalt  }
.Lfunc_end0:
.L_simem_size_0:
called_computation.2_lowered:
.L_overlay_start_0:
0x88: {  	s2 =	sld [smem:$0x3FD9]  }
0x89: {  	s3 =	sld [smem:$0x3FFE];
	_ =	sdelay $0x1  }
0x8a: {  	s1 =	srdreg.scid  }
0x8b: {  	s0 =	sand.u32 $0x1, s1  }
0x8c: {  	s17 =	sshll.u32 s0, $0xA;
	s2 =	sadd.s32 s3, s2  }
0x8d: {  	s2 =	sadd.s32 s2, s17  }
0x8e: {  	[smem:$0x3FBF] =	sst s2  }
0x8f: {  	_ = 	snop  }
0x90: {  	s2 =	sld [smem:$0x3FD0];
	(tm) =	ssettm $0x1  }
0x91: {  	s18 =	sld [smem:$0x3FFB];
	_ =	sdelay $0x3  }
0x92: {  	_ =	strace s18  }
0x93: {  	s3 =	sld [smem:$0x3FFC];
	_ =	sdelay $0x3  }
0x94: {  	_ =	strace s3  }
0x95: {  	s3 =	sld [smem:$0x3FFD];
	_ =	sdelay $0x3  }
0x96: {  	_ =	strace s3  }
0x97: {  	_ =	strace $0x8FFFFFFF  }
0x98: {  	s19 =	sld [smem:$0x3FDB];
	_ =	sdelay $0x1  }
0x99: {  	s4 =	simm.s32 $_scs_section_size  }
0x9a: {  	s5 =	simm.s32 $_size__tile_overlayer_lowered;
	s6 =	simm.s32 $_tile_overlayer_lowered  }
0x9b: {  	s22 =	simm.s32 $0x1BFF;
	s21 =	sshll.u32 s6, $0x1;
	s3 =	sadd.s32 s4, s19  }
0x9c: {  	s7 =	simm.s32 $0x0;
	s20 =	sshll.u32 s5, $0x1;
	s5 =	sadd.s32 s21, s3  }
0x9d: {  	[timem:s7], [sflag:s22] =	dma.local [hbm:s5], s20  }
0x9e: {  	_ =	swait.ge [sflag:s22], s20  }
0x9f: {  	s4 =	ssub.s32 $0x0, s20;
	[sflag:s22] =	ssyncset.done $0x0  }
0xa0: {  	[sflag:s22] =	ssyncadd.s32 s4;
	_ =	sdelay $0x1  }
0xa1: {  	s23 =	simm.s32 $0x1B8B  }
0xa2: {  	_ =	swait.ge [sflag:s23], $0x1  }
0xa3: {  	[sflag:s23] =	ssyncset.done $0x0  }
0xa4: {  	s25 =	simm.s32 $0x1B8E;
	s24 =	sld [smem:$0x3FFE];
	[sflag:s23] =	ssyncadd.s32 $0xFFFFFFFF  }
0xa5: {  	s26 =	simm.s32 $execute0_lowered;
	[smem:$0x3FD2] =	sst s25  }
0xa6: {  	s5 =	sshll.u32 s26, $0x1;
	_ =	strace $0x8000004C;
	[dreg:$0x1] =	wrdreg $0xFFFFFFFF  }
0xa7: {  	s28 =	simm.s32 $_size_execute0_lowered;
	s3 =	sadd.s32 s3, s5;
	[dreg:$0x0] =	wrdreg $0x0  }
0xa8: {  	s5 =	sshll.u32 s28, $0x1;
	[dreg:$0x2] =	wrdreg s3  }
0xa9: {  	[dreg:$0x3] =	wrdreg s5  }
0xaa: {  	[dreg:$0x4] =	wrdreg $0xC0  }
0xab: {  	_ =	task [dreg:s7], $0x5FFFF  }
0xac: {  	[dreg:$0x1] =	wrdreg $0xFFFFFFFF  }
0xad: {  	[dreg:$0x0] =	wrdreg $0x60  }
0xae: {  	[dreg:$0x2] =	wrdreg s2  }
0xaf: {  	[dreg:$0x3] =	wrdreg s24  }
0xb0: {  	[dreg:$0x4] =	wrdreg $0x0  }
0xb1: {  	[dreg:$0x5] =	wrdreg $0x9  }
0xb2: {  	_ =	task.clear_ibuf [dreg:s7], $0x6FFFF;
	_ =	strace $0x9000004C  }
0xb3: {  	s29 =	simm.s32 $0x9;
	_ =	strace $0x8000004E  }
0xb4: {  	_ =	swait.ge [sflag:s29], $0x1  }
0xb5: {  	[sflag:s29] =	ssyncadd.s32 $0xFFFFFFFF  }
0xb6: {  	_ =	strace $0x9000004E  }
0xb7: {  	_ =	sfence  }
0xb8: {  	s30 =	sld [smem:$0x0];
	_ =	sdelay $0x2  }
0xb9: {  	s31 =	sshll.u32 s1, $0xD;
	s1 =	sshrl.u32 s1, $0x2  }
0xba: {  	s3 =	sand.u32 $0x4000, s31;
	s1 =	sadd.s32 s1, s30  }
0xbb: {  	s0 =	sor.u32 s3, s0;
	s1 =	sshll.u32 s1, $0x11  }
0xbc: {  	s0 =	sor.u32 s1, s0  }
0xbd: {  	s0 =	sadd.s32 $0x8F2B, s0  }
0xbe: {  	[sflag:s0] =	ssyncadd.remote.s32 $0x1  }
0xbf: {  	_ =	sfence.sel $0xFFFF  }
0xc0: {  	[dreg:$0x0] =	wrdreg $0xFFFFFFFF;
	(pc) =	sbr.abs _section_cstart, $3  }
0xc1: {  	[dreg:$0x1] =	wrdreg $0xFFFFFFFF  }
0xc2: {  	_ =	task.clear_ibuf [dreg:s7], $0x2FFFF;
	_ =	strace $0x9FFFFFFF  }
0xc3: {  	(tm) =	ssettm $0x7FFFFFFF  }
tec
execute0_lowered:
.L_overlay_start_1:
0x0: {  	(tag) =	ssettag $0x1  }
0x1: {  	s1 =	rddreg [dreg:$0x0]  }
0x2: {  	s5 =	rddreg [dreg:$0x1]  }
0x3: {  	s2 =	rddreg [dreg:$0x2]  }
0x4: {  	s0 =	rddreg [dreg:$0x3];
	s3 =	simm.s32 $0x0;
	s8 =	stileid.u32  }
0x5: {  	s4 =	srdreg.scid;
	s11 =	simm.s32 $0x2;
	s12 =	simm.s32 $0x13C80  }
0x6: {  	s13 =	simm.s32 $0x40;
	s14 =	simm.s32 $0x13D00;
	s15 =	simm.s32 $0x1  }
0x7: {  	s16 =	simm.s32 $0x0;
	s6 =	smul.u32 $0x13A0, s8;
	s4 =	sand.u32 $0x1, s4  }
0x8: {  	[smem:$0x7FF] =	sst s3;
	p0 =	sne.s32 s8, $0x0;
	s7 =	smul.u32 $0x27800, s4  }
0x9: {  	_ =	strace $0x8000004D;
	s9 =	ssub.s32 $0x2, s4;
	s10 =	smul.u32 $0x9D0, s4  }
0xa: {  	s4 =	sadd.s32 $0x15E00, s5;
	s6 =	sadd.s32 s6, s5;
	s30 =	sshrl.u32 s9, $0x1  }
0xb: {  	s5 =	sadd.s32 s7, s5;
	s7 =	ssub.s32 s9, s30;
	s31 =	sadd.s32 s10, s6  }
0xc: {  	s9 =	sshrl.u32 @!p0 s2, $0x3;
	s10 =	simm.s32 $0x13C00;
	s5 =	sadd.s32 $0x3D600, s5  }
0xd: {  	s6 =	smax.u32 s7, $0x1;
	s7 =	sadd.s32 $0x2400, s31;
	s8 =	sadd.s32 $0x8C600, s31  }
.LBB2_1:
0xe: {  	s17 =	simm.s32 @!p0 $0x1C02  }
0xf: {  	[spmem:s9], [sflag:s17] =	dma.local @!p0 [hbm:s4], $0x27800  }
0x10: {  	s17 =	simm.s32 @!p0 $0x2  }
0x11: {  	_ =	swait.ge @!p0 [sflag:s17], $0x27800  }
0x12: {  	[sflag:s17] =	ssyncset.done @!p0 $0x0  }
0x13: {  	[sflag:s17] =	ssyncadd.s32 @!p0 $0xFFFD8800  }
0x14: {  	s30 =	sadd.s32 $0x0, s8;
	[bflag:$0x0] =	sbarrier.arrive $0xFFFF  }
0x15: {  	[tilespmem:s10], [sflag:$0x2] =	stream.linear.gather [hbm4b:s30+s3], $0x80, $0x38;
	[tilespmem:$0x15D00] =	vst v63  }
0x16: {  	_ =	swait.ge [sflag:s11], $0x80  }
0x17: {  	[sflag:s11] =	ssyncset.done $0x0  }
0x18: {  	s31 =	sadd.s32 $0x0, s7;
	[sflag:s11] =	ssyncadd.s32 $0xFFFFFF80  }
0x19: {  	[tilespmem:s12], [sflag:$0x2] =	stream.linear.gather [hbm4b:s31+s3], $0x80, $0x38;
	[tilespmem:$0x15D00] =	vst v63  }
0x1a: {  	_ =	swait.ge [sflag:s11], $0x80  }
0x1b: {  	[sflag:s11] =	ssyncset.done $0x0  }
0x1c: {  	[sflag:s11] =	ssyncadd.s32 $0xFFFFFF80  }
0x1d: {  	[tilespmem:s14], [sflag:$0x1] =	stream.indirect.gather [hbm4b:s1+s13], $0x80, s10, s13, $0xb8;
	[tilespmem:$0x15D00] =	vst v63  }
0x1e: {  	_ =	swait.ge [sflag:s15], $0x2000  }
0x1f: {  	[sflag:s15] =	ssyncset.done $0x0  }
0x20: {  	[sflag:s15] =	ssyncadd.s32 $0xFFFFE000  }
0x21: {  	[spmem:s2] =	stream.indirect.scatter.add.f32 [tilespmem:s14], [sflag:$0x2], $0x80, s12, s13, $0xb8;
	[tilespmem:$0x15D00] =	vst v63  }
0x22: {  	_ =	swait.ge [sflag:s11], $0x2000  }
0x23: {  	s18 =	simm.s32 $0x20;
	s17 =	simm.s32 $0x10;
	[sflag:s11] =	ssyncset.done $0x0  }
.LBB2_2:
0x24: {  	s19 =	sadd.s32 s17, s8  }
0x25: {  	[sflag:s11] =	ssyncadd.s32 $0xFFFFE000;
	s20 =	smov.u32 s18;
	s21 =	sadd.s32 $0x10, s18  }
0x26: {  	[tilespmem:s10], [sflag:$0x2] =	stream.linear.gather [hbm4b:s19+s3], $0x80, $0x38;
	[tilespmem:$0x15D00] =	vst v63  }
0x27: {  	p1 =	sne.s32 s18, $0x9C0;
	_ =	swait.ge [sflag:s11], $0x80  }
0x28: {  	[sflag:s11] =	ssyncset.done $0x0  }
0x29: {  	s18 =	sadd.s32 s17, s7;
	s17 =	smov.u32 s20;
	[sflag:s11] =	ssyncadd.s32 $0xFFFFFF80  }
0x2a: {  	[tilespmem:s12], [sflag:$0x2] =	stream.linear.gather [hbm4b:s18+s3], $0x80, $0x38;
	[tilespmem:$0x15D00] =	vst v63  }
0x2b: {  	_ =	swait.ge [sflag:s11], $0x80  }
0x2c: {  	[sflag:s11] =	ssyncset.done $0x0  }
0x2d: {  	[sflag:s11] =	ssyncadd.s32 $0xFFFFFF80  }
0x2e: {  	[tilespmem:s14], [sflag:$0x1] =	stream.indirect.gather [hbm4b:s1+s13], $0x80, s10, s13, $0xb8;
	[tilespmem:$0x15D00] =	vst v63  }
0x2f: {  	_ =	swait.ge [sflag:s15], $0x2000  }
.Ltmp0:
0x30: {  	[sflag:s15] =	ssyncset.done $0x0;
	(pc) =	sbr.rel @p1 .LBB2_2-.Ltmp0, $4  }
0x31: {  	[sflag:s15] =	ssyncadd.s32 $0xFFFFE000  }
0x32: {  	[spmem:s2] =	stream.indirect.scatter.add.f32 [tilespmem:s14], [sflag:$0x2], $0x80, s12, s13, $0xb8;
	[tilespmem:$0x15D00] =	vst v63  }
0x33: {  	_ =	swait.ge [sflag:s11], $0x2000  }
0x34: {  	s18 =	smov.u32 s21;
	[sflag:s11] =	ssyncset.done $0x0  }
0x35: {  	s18 =	sadd.s32 s17, s8;
	[sflag:s11] =	ssyncadd.s32 $0xFFFFE000  }
0x36: {  	[tilespmem:s10], [sflag:$0x2] =	stream.linear.gather [hbm4b:s18+s3], $0x80, $0x38;
	[tilespmem:$0x15D00] =	vst v63  }
0x37: {  	_ =	swait.ge [sflag:s11], $0x80  }
0x38: {  	[sflag:s11] =	ssyncset.done $0x0  }
0x39: {  	s31 =	sadd.s32 s17, s7;
	[sflag:s11] =	ssyncadd.s32 $0xFFFFFF80  }
0x3a: {  	[tilespmem:s12], [sflag:$0x2] =	stream.linear.gather [hbm4b:s31+s3], $0x80, $0x38;
	[tilespmem:$0x15D00] =	vst v63  }
0x3b: {  	_ =	swait.ge [sflag:s11], $0x80  }
0x3c: {  	[sflag:s11] =	ssyncset.done $0x0  }
0x3d: {  	[sflag:s11] =	ssyncadd.s32 $0xFFFFFF80  }
0x3e: {  	[tilespmem:s14], [sflag:$0x1] =	stream.indirect.gather [hbm4b:s1+s13], $0x80, s10, s13, $0xb8;
	[tilespmem:$0x15D00] =	vst v63  }
0x3f: {  	_ =	swait.ge [sflag:s15], $0x2000  }
0x40: {  	[sflag:s15] =	ssyncset.done $0x0  }
0x41: {  	[sflag:s15] =	ssyncadd.s32 $0xFFFFE000  }
0x42: {  	[spmem:s2] =	stream.indirect.scatter.add.f32 [tilespmem:s14], [sflag:$0x2], $0x80, s12, s13, $0xb8;
	[tilespmem:$0x15D00] =	vst v63  }
0x43: {  	_ =	swait.ge [sflag:s11], $0x2000  }
0x44: {  	[sflag:s11] =	ssyncset.done $0x0  }
0x45: {  	s16 =	sadd.s32 $0x1, s16;
	[sflag:s11] =	ssyncadd.s32 $0xFFFFE000  }
0x46: {  	s17 =	simm.s32 @!p0 $0x1C02;
	p1 =	sne.s32 s16, s6;
	[bflag:$0x0] =	sbarrier.arrive $0xFFFF  }
0x47: {  	[hbm:s5], [sflag:s17] =	dma.local @!p0 [spmem:s9], $0x27800  }
.Ltmp1:
0x48: {  	_ = 	snop;
	(pc) =	sbr.rel @p1 .LBB2_1-.Ltmp1, $4  }
0x49: {  	s17 =	simm.s32 @!p0 $0x2  }
0x4a: {  	_ =	swait.ge @!p0 [sflag:s17], $0x27800  }
0x4b: {  	[sflag:s17] =	ssyncset.done @!p0 $0x0  }
0x4c: {  	[sflag:s17] =	ssyncadd.s32 @!p0 $0xFFFD8800  }
0x4d: {  	_ =	sfence.sel $0x180000  }
0x4e: {  	[bflag:$0x0] =	sbarrier.arrive $0xFFFF  }
0x4f: {  	_ =	strace $0x9000004D  }
0x50: {  	s0 =	sadd.s32 @!p0 $0x100000, s0;
	[bflag:$0x2] =	sbarrier.arrive $0xFFFF  }
0x51: {  	[sflag:s0] =	ssyncadd.tile.s32 @!p0 $0x1;
	_ =	shalt  }
.Lfunc_end2:
_tile_overlayer_lowered:
.L_overlay_start_2:
0x52: {  	(tag) =	ssettag $0x2  }
0x53: {  	s0 =	rddreg [dreg:$0x0];
	s2 =	stileid.u32  }
0x54: {  	s1 =	rddreg [dreg:$0x1];
	p0 =	sne.s32 s2, $0x0  }
0x55: {  	s3 =	rddreg [dreg:$0x2];
	[bflag:$0x3] =	sbarrier.arrive $0xFFFF;
	s2 =	simm.s32 @!p0 $0x1C02  }
0x56: {  	[timem:s3], [sflag:s2] =	dma.local @!p0 [hbm:s0], s1  }
0x57: {  	s0 =	simm.s32 @!p0 $0x2  }
0x58: {  	_ =	swait.ge @!p0 [sflag:s0], s1  }
0x59: {  	s1 =	ssub.s32 @!p0 $0x0, s1;
	[sflag:s0] =	ssyncset.done @!p0 $0x0  }
0x5a: {  	[sflag:s0] =	ssyncadd.s32 @!p0 s1  }
0x5b: {  	[bflag:$0x3] =	sbarrier.arrive $0xFFFF  }
0x5c: {  	_ =	shalt  }

// kernel: kernel.8.cloned.1.call-start
scs
__scs_entry_jumppad:
0x0: {  	(pc) =	sbr.rel $0x88, $3  }
0x1: {  	(tag) =	ssettag $0x0;
	lr =	simm.s32 $0x1  }
0x2: {  	[smem:$0x3F98] =	sst lr;
	_ =	strace $0xD0000000  }
0x3: {  	_ = 	snop  }
0x4: {  	_ = 	snop  }
0x5: {  	_ = 	snop  }
0x6: {  	_ = 	snop  }
0x7: {  	_ = 	snop  }
__scs_overlays_trampoline_lowered:
0x8: {  	[smem:$0x3FA7] =	sst s0  }
0x9: {  	[smem:$0x3FA8] =	sst s1  }
0xa: {  	[smem:$0x3FA9] =	sst s2  }
0xb: {  	[smem:$0x3FAA] =	sst s3  }
0xc: {  	[smem:$0x3FAB] =	sst s4  }
0xd: {  	[smem:$0x3FAC] =	sst s5  }
0xe: {  	[smem:$0x3FAD] =	sst s6  }
0xf: {  	[smem:$0x3FAE] =	sst s7  }
0x10: {  	[smem:$0x3FAF] =	sst s8  }
0x11: {  	[smem:$0x3FB0] =	sst s9;
	s0 =	simm.s32 @!p0 $0x0  }
0x12: {  	s1 =	sld [smem:$0x3F96];
	s0 =	simm.s32 @p0 $0x1  }
0x13: {  	[smem:$0x3FB1] =	sst s0;
	s0 =	simm.s32 @!p1 $0x0  }
0x14: {  	s2 =	sld [smem:$0x3F95];
	s0 =	simm.s32 @p1 $0x1  }
0x15: {  	[smem:$0x3FB2] =	sst s0;
	s0 =	simm.s32 @!p2 $0x0  }
0x16: {  	s3 =	sld [smem:$0x3FDB];
	s0 =	simm.s32 @p2 $0x1  }
0x17: {  	s4 =	simm.s32 $0x1BF5;
	[smem:$0x3FB4] =	sst s0  }
0x18: {  	s0 =	sld [smem:$0x3F97];
	_ =	swait.ge [sflag:s4], $0x0  }
0x19: {  	s7 =	sld [smem:$0x3F98]  }
0x1a: {  	s8 =	sadd.s32 $0xFFFFE003, lr  }
0x1b: {  	s9 =	sadd.s32 $0xFFFFFEF7, lr;
	s5 =	simm.s32 $0xFFFFFFFF;
	p2 =	slt.u32 s8, $0xFFFFF086  }
0x1c: {  	p1 =	slt.u32 s9, $0xF7A;
	s5 =	simm.s32 @!p2 $0x0  }
0x1d: {  	s5 =	simm.s32 @p1 $0x1;
	p0 =	seq.s32 s7, s2  }
0x1e: {  	s7 =	smul.u32 @!p0 $0xF7A, s2;
	p2 =	seq.s32 @!p0 s5, $0x0  }
0x1f: {  	s9 =	smul.u32 $0xF7A, s1;
	s8 =	simm.s32 @!p0 $0x1BF5;
	p2 =	por !p2, p0  }
0x20: {  	[sflag:s8] =	ssyncset.s32 @!p0 $0xFFFFF086;
	s6 =	sadd.s32 @!p0 s3, s7;
	s7 =	simm.s32 @!p0 $0x108  }
0x21: {  	s3 =	sadd.s32 s3, s9;
	s6 =	sadd.s32 @!p0 $0x88, s6;
	s7 =	simm.s32 @p2 $0x1082  }
0x22: {  	[simem:s7], [sflag:s8] =	dma.local @!p0 [hbm:s6], $0xF7A  }
0x23: {  	s9 =	sor.u32 $0xD0000000, s2;
	s6 =	simm.s32 $0x108;
	_ =	swait.ge @!p0 [sflag:s8], $0x0  }
0x24: {  	s3 =	sadd.s32 $0x88, s3;
	s6 =	simm.s32 @!p1 $0x1082;
	[sflag:s4] =	ssyncset.s32 $0xFFFFF086  }
0x25: {  	[simem:s6], [sflag:s4] =	dma.local [hbm:s3], $0xF7A  }
0x26: {  	[smem:$0x3F98] =	sst s1;
	(tag) =	ssettag s2;
	_ =	strace s9  }
0x27: {  	s1 =	sld [smem:$0x3FA8]  }
0x28: {  	s2 =	sld [smem:$0x3FA9]  }
0x29: {  	s4 =	sld [smem:$0x3FAB]  }
0x2a: {  	p0 =	seq.s32 s5, $0x0;
	s5 =	sld [smem:$0x3FAC]  }
0x2b: {  	s6 =	sld [smem:$0x3FAD]  }
0x2c: {  	s7 =	sld [smem:$0x3FAE]  }
0x2d: {  	s3 =	simm.s32 $0x108;
	s8 =	sld [smem:$0x3FAF]  }
0x2e: {  	s3 =	simm.s32 @!p0 $0x1082;
	s9 =	sld [smem:$0x3FB0]  }
0x2f: {  	lr =	sadd.s32 s0, s3;
	s0 =	sld [smem:$0x3FA7]  }
0x30: {  	s3 =	sld [smem:$0x3FAA]  }
0x31: {  	[smem:$0x3FB3] =	sst s10  }
0x32: {  	s10 =	sld [smem:$0x3FB1];
	_ =	sdelay $0x3  }
0x33: {  	p0 =	seq.s32 s10, $0x1;
	s10 =	sld [smem:$0x3FB3];
	_ =	sdelay $0x3  }
0x34: {  	[smem:$0x3FB3] =	sst s10  }
0x35: {  	s10 =	sld [smem:$0x3FB2];
	_ =	sdelay $0x3  }
0x36: {  	p1 =	seq.s32 s10, $0x1;
	s10 =	sld [smem:$0x3FB3];
	_ =	sdelay $0x3  }
0x37: {  	[smem:$0x3FB3] =	sst s10  }
0x38: {  	s10 =	sld [smem:$0x3FB4]  }
0x39: {  	_ = 	snop;
	(pc) =	sbr.ind lr, $3  }
0x3a: {  	_ = 	snop  }
0x3b: {  	_ = 	snop  }
0x3c: {  	p2 =	seq.s32 s10, $0x1;
	s10 =	sld [smem:$0x3FB3]  }
0x3d: {  	_ =	shalt  }
0x3e: {  	_ =	shalt  }
0x3f: {  	_ =	shalt  }
0x40: {  	_ =	shalt  }
0x41: {  	_ =	shalt  }
0x42: {  	_ =	shalt  }
0x43: {  	_ =	shalt  }
0x44: {  	_ =	shalt  }
0x45: {  	_ =	shalt  }
0x46: {  	_ =	shalt  }
0x47: {  	_ =	shalt  }
0x48: {  	_ =	shalt  }
0x49: {  	_ =	shalt  }
0x4a: {  	_ =	shalt  }
0x4b: {  	_ =	shalt  }
0x4c: {  	_ =	shalt  }
0x4d: {  	_ =	shalt  }
0x4e: {  	_ =	shalt  }
0x4f: {  	_ =	shalt  }
0x50: {  	_ =	shalt  }
0x51: {  	_ =	shalt  }
0x52: {  	_ =	shalt  }
0x53: {  	_ =	shalt  }
0x54: {  	_ =	shalt  }
0x55: {  	_ =	shalt  }
0x56: {  	_ =	shalt  }
0x57: {  	_ =	shalt  }
0x58: {  	_ =	shalt  }
0x59: {  	_ =	shalt  }
0x5a: {  	_ =	shalt  }
0x5b: {  	_ =	shalt  }
0x5c: {  	_ =	shalt  }
0x5d: {  	_ =	shalt  }
0x5e: {  	_ =	shalt  }
0x5f: {  	_ =	shalt  }
0x60: {  	_ =	shalt  }
0x61: {  	_ =	shalt  }
0x62: {  	_ =	shalt  }
0x63: {  	_ =	shalt  }
0x64: {  	_ =	shalt  }
0x65: {  	_ =	shalt  }
0x66: {  	_ =	shalt  }
0x67: {  	_ =	shalt  }
0x68: {  	_ =	shalt  }
0x69: {  	_ =	shalt  }
0x6a: {  	_ =	shalt  }
0x6b: {  	_ =	shalt  }
0x6c: {  	_ =	shalt  }
0x6d: {  	_ =	shalt  }
0x6e: {  	_ =	shalt  }
0x6f: {  	_ =	shalt  }
0x70: {  	_ =	shalt  }
0x71: {  	_ =	shalt  }
0x72: {  	_ =	shalt  }
0x73: {  	_ =	shalt  }
0x74: {  	_ =	shalt  }
0x75: {  	_ =	shalt  }
0x76: {  	_ =	shalt  }
0x77: {  	_ =	shalt  }
0x78: {  	_ =	shalt  }
0x79: {  	_ =	shalt  }
0x7a: {  	_ =	shalt  }
0x7b: {  	_ =	shalt  }
0x7c: {  	_ =	shalt  }
0x7d: {  	_ =	shalt  }
0x7e: {  	_ =	shalt  }
0x7f: {  	_ =	shalt  }
0x80: {  	_ =	shalt  }
0x81: {  	_ =	shalt  }
0x82: {  	_ =	shalt  }
0x83: {  	_ =	shalt  }
0x84: {  	_ =	shalt  }
0x85: {  	_ =	shalt  }
0x86: {  	_ =	shalt  }
0x87: {  	_ =	shalt  }
.Lfunc_end0:
.L_simem_size_0:
called_computation_lowered:
.L_overlay_start_0:
0x88: {  	s2 =	sld [smem:$0x3FD9]  }
0x89: {  	s3 =	sld [smem:$0x3FFE];
	_ =	sdelay $0x1  }
0x8a: {  	s1 =	srdreg.scid  }
0x8b: {  	s0 =	sand.u32 $0x1, s1  }
0x8c: {  	s17 =	sshll.u32 s0, $0xA;
	s2 =	sadd.s32 s3, s2  }
0x8d: {  	s2 =	sadd.s32 s2, s17  }
0x8e: {  	[smem:$0x3FBF] =	sst s2  }
0x8f: {  	_ = 	snop  }
0x90: {  	s18 =	sld [smem:$0x3FC9];
	(tm) =	ssettm $0x1  }
0x91: {  	s19 =	sld [smem:$0x3FFB];
	_ =	sdelay $0x3  }
0x92: {  	_ =	strace s19  }
0x93: {  	s2 =	sld [smem:$0x3FFC];
	_ =	sdelay $0x3  }
0x94: {  	_ =	strace s2  }
0x95: {  	s2 =	sld [smem:$0x3FFD];
	_ =	sdelay $0x3  }
0x96: {  	_ =	strace s2  }
0x97: {  	_ =	strace $0x8FFFFFFF  }
0x98: {  	s20 =	sld [smem:$0x3FDB];
	_ =	sdelay $0x1  }
0x99: {  	s4 =	simm.s32 $_scs_section_size  }
0x9a: {  	s5 =	simm.s32 $_size__tile_overlayer_lowered;
	s6 =	simm.s32 $_tile_overlayer_lowered  }
0x9b: {  	s7 =	simm.s32 $0x1BFF;
	s21 =	sshll.u32 s6, $0x1;
	s4 =	sadd.s32 s4, s20  }
0x9c: {  	s22 =	simm.s32 $0x0;
	s5 =	sshll.u32 s5, $0x1;
	s6 =	sadd.s32 s21, s4  }
0x9d: {  	[timem:s22], [sflag:s7] =	dma.local [hbm:s6], s5  }
0x9e: {  	_ =	swait.ge [sflag:s7], s5  }
0x9f: {  	s5 =	ssub.s32 $0x0, s5;
	[sflag:s7] =	ssyncset.done $0x0  }
0xa0: {  	[sflag:s7] =	ssyncadd.s32 s5;
	_ =	sdelay $0x1  }
0xa1: {  	s23 =	simm.s32 $0x1B8B  }
0xa2: {  	_ =	swait.ge [sflag:s23], $0x1  }
0xa3: {  	[sflag:s23] =	ssyncset.done $0x0  }
0xa4: {  	[sflag:s23] =	ssyncadd.s32 $0xFFFFFFFF  }
0xa5: {  	s5 =	sld [smem:$0x0]  }
0xa6: {  	s6 =	sand.u32 $0xFFFFFFFE, s1  }
0xa7: {  	p0 =	sne.s32 s1, s6  }
0xa8: {  	s6 =	sshll.u32 @p0 s6, $0xE  }
0xa9: {  	s6 =	sadd.s32 @p0 $0x11B8D, s6;
	s7 =	sshll.u32 @p0 s5, $0x11  }
0xaa: {  	s6 =	sor.u32 @p0 s7, s6  }
0xab: {  	[sflag:s6] =	ssyncadd.remote.s32 @p0 $0x1;
	_ =	sdelay $0x1  }
0xac: {  	s6 =	simm.s32 @p0 $0x1B8D  }
0xad: {  	_ =	swait.eq @p0 [sflag:s6], $0x1  }
0xae: {  	[sflag:s6] =	ssyncadd.s32 @p0 $0xFFFFFFFF  }
0xaf: {  	s7 =	sshll.u32 @!p0 s1, $0xE  }
0xb0: {  	s7 =	sor.u32 @!p0 $0x4000, s7;
	s6 =	simm.s32 @!p0 $0x1B8D  }
0xb1: {  	s5 =	sshll.u32 @!p0 s5, $0x11;
	s7 =	sadd.s32 @!p0 $0x11B8D, s7;
	_ =	swait.eq @!p0 [sflag:s6], $0x1  }
0xb2: {  	s5 =	sor.u32 @!p0 s5, s7;
	[sflag:s6] =	ssyncadd.s32 @!p0 $0xFFFFFFFF  }
0xb3: {  	s25 =	simm.s32 $0x1B8E;
	s24 =	sld [smem:$0x3FFE];
	[sflag:s5] =	ssyncadd.remote.s32 @!p0 $0x1  }
0xb4: {  	s26 =	simm.s32 $execute0_lowered;
	[smem:$0x3FD2] =	sst s25  }
0xb5: {  	s6 =	sshll.u32 s26, $0x1;
	_ =	strace $0x80000049;
	[dreg:$0x1] =	wrdreg $0xFFFFFFFF  }
0xb6: {  	s28 =	simm.s32 $_size_execute0_lowered;
	s4 =	sadd.s32 s4, s6;
	[dreg:$0x0] =	wrdreg $0x0  }
0xb7: {  	s6 =	sshll.u32 s28, $0x1;
	[dreg:$0x2] =	wrdreg s4  }
0xb8: {  	[dreg:$0x3] =	wrdreg s6  }
0xb9: {  	[dreg:$0x4] =	wrdreg $0xC0  }
0xba: {  	_ =	task [dreg:s22], $0x5FFFF  }
0xbb: {  	[dreg:$0x1] =	wrdreg $0xFFFFFFFF  }
0xbc: {  	[dreg:$0x0] =	wrdreg $0x60  }
0xbd: {  	[dreg:$0x2] =	wrdreg s18  }
0xbe: {  	[dreg:$0x3] =	wrdreg s24  }
0xbf: {  	[dreg:$0x4] =	wrdreg $0x0  }
0xc0: {  	[dreg:$0x5] =	wrdreg $0x9  }
0xc1: {  	_ =	task.clear_ibuf [dreg:s22], $0x6FFFF;
	_ =	strace $0x90000049  }
0xc2: {  	s29 =	simm.s32 $0x9;
	_ =	strace $0x8000004B  }
0xc3: {  	_ =	swait.ge [sflag:s29], $0x1  }
0xc4: {  	[sflag:s29] =	ssyncadd.s32 $0xFFFFFFFF  }
0xc5: {  	_ =	strace $0x9000004B  }
0xc6: {  	_ =	sfence  }
0xc7: {  	s30 =	sld [smem:$0x0];
	_ =	sdelay $0x2  }
0xc8: {  	s31 =	sshll.u32 s1, $0xD;
	s1 =	sshrl.u32 s1, $0x2  }
0xc9: {  	s4 =	sand.u32 $0x4000, s31;
	s1 =	sadd.s32 s1, s30  }
0xca: {  	s0 =	sor.u32 s4, s0;
	s1 =	sshll.u32 s1, $0x11  }
0xcb: {  	s0 =	sor.u32 s1, s0  }
0xcc: {  	s0 =	sadd.s32 $0x8F2B, s0  }
0xcd: {  	[sflag:s0] =	ssyncadd.remote.s32 $0x1  }
0xce: {  	_ =	sfence.sel $0xFFFF  }
0xcf: {  	[dreg:$0x0] =	wrdreg $0xFFFFFFFF;
	(pc) =	sbr.abs _section_cstart, $3  }
0xd0: {  	[dreg:$0x1] =	wrdreg $0xFFFFFFFF  }
0xd1: {  	_ =	task.clear_ibuf [dreg:s22], $0x2FFFF;
	_ =	strace $0x9FFFFFFF  }
0xd2: {  	(tm) =	ssettm $0x7FFFFFFF  }
0xd3: {  	_ =	shalt  }
tec
execute0_lowered:
.L_overlay_start_1:
0x0: {  	(tag) =	ssettag $0x1  }
0x1: {  	s1 =	rddreg [dreg:$0x0]  }
0x2: {  	s5 =	rddreg [dreg:$0x1]  }
0x3: {  	s2 =	rddreg [dreg:$0x2]  }
0x4: {  	s0 =	rddreg [dreg:$0x3];
	s3 =	simm.s32 $0x0;
	s8 =	stileid.u32  }
0x5: {  	s4 =	srdreg.scid;
	s11 =	simm.s32 $0x2;
	s12 =	simm.s32 $0x13C80  }
0x6: {  	s13 =	simm.s32 $0x40;
	s14 =	simm.s32 $0x13D00;
	s15 =	simm.s32 $0x1  }
0x7: {  	s16 =	simm.s32 $0x0;
	s6 =	smul.u32 $0x13A0, s8;
	s4 =	sand.u32 $0x1, s4  }
0x8: {  	[smem:$0x7FF] =	sst s3;
	p0 =	sne.s32 s8, $0x0;
	s7 =	smul.u32 $0x27800, s4  }
0x9: {  	_ =	strace $0x8000004A;
	s9 =	ssub.s32 $0x2, s4;
	s10 =	smul.u32 $0x9D0, s4  }
0xa: {  	s4 =	sadd.s32 $0x15E00, s5;
	s6 =	sadd.s32 s6, s5;
	s30 =	sshrl.u32 s9, $0x1  }
0xb: {  	s5 =	sadd.s32 s7, s5;
	s7 =	ssub.s32 s9, s30;
	s31 =	sadd.s32 s10, s6  }
0xc: {  	s9 =	sshrl.u32 @!p0 s2, $0x3;
	s10 =	simm.s32 $0x13C00;
	s5 =	sadd.s32 $0xA0000, s5  }
0xd: {  	s6 =	smax.u32 s7, $0x1;
	s7 =	sadd.s32 $0x2400, s31;
	s8 =	sadd.s32 $0x8C600, s31  }
.LBB2_1:
0xe: {  	s17 =	simm.s32 @!p0 $0x1C02  }
0xf: {  	[spmem:s9], [sflag:s17] =	dma.local @!p0 [hbm:s4], $0x27800  }
0x10: {  	s17 =	simm.s32 @!p0 $0x2  }
0x11: {  	_ =	swait.ge @!p0 [sflag:s17], $0x27800  }
0x12: {  	[sflag:s17] =	ssyncset.done @!p0 $0x0  }
0x13: {  	[sflag:s17] =	ssyncadd.s32 @!p0 $0xFFFD8800  }
0x14: {  	s30 =	sadd.s32 $0x0, s8;
	[bflag:$0x0] =	sbarrier.arrive $0xFFFF  }
0x15: {  	[tilespmem:s10], [sflag:$0x2] =	stream.linear.gather [hbm4b:s30+s3], $0x80, $0x38;
	[tilespmem:$0x15D00] =	vst v63  }
0x16: {  	_ =	swait.ge [sflag:s11], $0x80  }
0x17: {  	[sflag:s11] =	ssyncset.done $0x0  }
0x18: {  	s31 =	sadd.s32 $0x0, s7;
	[sflag:s11] =	ssyncadd.s32 $0xFFFFFF80  }
0x19: {  	[tilespmem:s12], [sflag:$0x2] =	stream.linear.gather [hbm4b:s31+s3], $0x80, $0x38;
	[tilespmem:$0x15D00] =	vst v63  }
0x1a: {  	_ =	swait.ge [sflag:s11], $0x80  }
0x1b: {  	[sflag:s11] =	ssyncset.done $0x0  }
0x1c: {  	[sflag:s11] =	ssyncadd.s32 $0xFFFFFF80  }
0x1d: {  	[tilespmem:s14], [sflag:$0x1] =	stream.indirect.gather [hbm4b:s1+s13], $0x80, s10, s13, $0xb8;
	[tilespmem:$0x15D00] =	vst v63  }
0x1e: {  	_ =	swait.ge [sflag:s15], $0x2000  }
0x1f: {  	[sflag:s15] =	ssyncset.done $0x0  }
0x20: {  	[sflag:s15] =	ssyncadd.s32 $0xFFFFE000  }
0x21: {  	[spmem:s2] =	stream.indirect.scatter.add.f32 [tilespmem:s14], [sflag:$0x2], $0x80, s12, s13, $0xb8;
	[tilespmem:$0x15D00] =	vst v63  }
0x22: {  	_ =	swait.ge [sflag:s11], $0x2000  }
0x23: {  	s18 =	simm.s32 $0x20;
	s17 =	simm.s32 $0x10;
	[sflag:s11] =	ssyncset.done $0x0  }
.LBB2_2:
0x24: {  	s19 =	sadd.s32 s17, s8  }
0x25: {  	[sflag:s11] =	ssyncadd.s32 $0xFFFFE000;
	s20 =	smov.u32 s18;
	s21 =	sadd.s32 $0x10, s18  }
0x26: {  	[tilespmem:s10], [sflag:$0x2] =	stream.linear.gather [hbm4b:s19+s3], $0x80, $0x38;
	[tilespmem:$0x15D00] =	vst v63  }
0x27: {  	p1 =	sne.s32 s18, $0x9C0;
	_ =	swait.ge [sflag:s11], $0x80  }
0x28: {  	[sflag:s11] =	ssyncset.done $0x0  }
0x29: {  	s18 =	sadd.s32 s17, s7;
	s17 =	smov.u32 s20;
	[sflag:s11] =	ssyncadd.s32 $0xFFFFFF80  }
0x2a: {  	[tilespmem:s12], [sflag:$0x2] =	stream.linear.gather [hbm4b:s18+s3], $0x80, $0x38;
	[tilespmem:$0x15D00] =	vst v63  }
0x2b: {  	_ =	swait.ge [sflag:s11], $0x80  }
0x2c: {  	[sflag:s11] =	ssyncset.done $0x0  }
0x2d: {  	[sflag:s11] =	ssyncadd.s32 $0xFFFFFF80  }
0x2e: {  	[tilespmem:s14], [sflag:$0x1] =	stream.indirect.gather [hbm4b:s1+s13], $0x80, s10, s13, $0xb8;
	[tilespmem:$0x15D00] =	vst v63  }
0x2f: {  	_ =	swait.ge [sflag:s15], $0x2000  }
.Ltmp0:
0x30: {  	[sflag:s15] =	ssyncset.done $0x0;
	(pc) =	sbr.rel @p1 .LBB2_2-.Ltmp0, $4  }
0x31: {  	[sflag:s15] =	ssyncadd.s32 $0xFFFFE000  }
0x32: {  	[spmem:s2] =	stream.indirect.scatter.add.f32 [tilespmem:s14], [sflag:$0x2], $0x80, s12, s13, $0xb8;
	[tilespmem:$0x15D00] =	vst v63  }
0x33: {  	_ =	swait.ge [sflag:s11], $0x2000  }
0x34: {  	s18 =	smov.u32 s21;
	[sflag:s11] =	ssyncset.done $0x0  }
0x35: {  	s18 =	sadd.s32 s17, s8;
	[sflag:s11] =	ssyncadd.s32 $0xFFFFE000  }
0x36: {  	[tilespmem:s10], [sflag:$0x2] =	stream.linear.gather [hbm4b:s18+s3], $0x80, $0x38;
	[tilespmem:$0x15D00] =	vst v63  }
0x37: {  	_ =	swait.ge [sflag:s11], $0x80  }
0x38: {  	[sflag:s11] =	ssyncset.done $0x0  }
0x39: {  	s31 =	sadd.s32 s17, s7;
	[sflag:s11] =	ssyncadd.s32 $0xFFFFFF80  }
0x3a: {  	[tilespmem:s12], [sflag:$0x2] =	stream.linear.gather [hbm4b:s31+s3], $0x80, $0x38;
	[tilespmem:$0x15D00] =	vst v63  }
0x3b: {  	_ =	swait.ge [sflag:s11], $0x80  }
0x3c: {  	[sflag:s11] =	ssyncset.done $0x0  }
0x3d: {  	[sflag:s11] =	ssyncadd.s32 $0xFFFFFF80  }
0x3e: {  	[tilespmem:s14], [sflag:$0x1] =	stream.indirect.gather [hbm4b:s1+s13], $0x80, s10, s13, $0xb8;
	[tilespmem:$0x15D00] =	vst v63  }
0x3f: {  	_ =	swait.ge [sflag:s15], $0x2000  }
0x40: {  	[sflag:s15] =	ssyncset.done $0x0  }
0x41: {  	[sflag:s15] =	ssyncadd.s32 $0xFFFFE000  }
0x42: {  	[spmem:s2] =	stream.indirect.scatter.add.f32 [tilespmem:s14], [sflag:$0x2], $0x80, s12, s13, $0xb8;
	[tilespmem:$0x15D00] =	vst v63  }
0x43: {  	_ =	swait.ge [sflag:s11], $0x2000  }
0x44: {  	[sflag:s11] =	ssyncset.done $0x0  }
0x45: {  	s16 =	sadd.s32 $0x1, s16;
	[sflag:s11] =	ssyncadd.s32 $0xFFFFE000  }
0x46: {  	s17 =	simm.s32 @!p0 $0x1C02;
	p1 =	sne.s32 s16, s6;
	[bflag:$0x0] =	sbarrier.arrive $0xFFFF  }
0x47: {  	[hbm:s5], [sflag:s17] =	dma.local @!p0 [spmem:s9], $0x27800  }
.Ltmp1:
0x48: {  	_ = 	snop;
	(pc) =	sbr.rel @p1 .LBB2_1-.Ltmp1, $4  }
0x49: {  	s17 =	simm.s32 @!p0 $0x2  }
0x4a: {  	_ =	swait.ge @!p0 [sflag:s17], $0x27800  }
0x4b: {  	[sflag:s17] =	ssyncset.done @!p0 $0x0  }
0x4c: {  	[sflag:s17] =	ssyncadd.s32 @!p0 $0xFFFD8800  }
0x4d: {  	_ =	sfence.sel $0x180000  }
0x4e: {  	[bflag:$0x0] =	sbarrier.arrive $0xFFFF  }
0x4f: {  	_ =	strace $0x9000004A  }
0x50: {  	s0 =	sadd.s32 @!p0 $0x100000, s0;
	[bflag:$0x2] =	sbarrier.arrive $0xFFFF  }
0x51: {  	[sflag:s0] =	ssyncadd.tile.s32 @!p0 $0x1;
	_ =	shalt  }
.Lfunc_end2:
_tile_overlayer_lowered:
.L_overlay_start_2:
0x52: {  	(tag) =	ssettag $0x2  }
0x53: {  	s0 =	rddreg [dreg:$0x0];
	s2 =	stileid.u32  }
0x54: {  	s1 =	rddreg [dreg:$0x1];
	p0 =	sne.s32 s2, $0x0  }
0x55: {  	s3 =	rddreg [dreg:$0x2];
	[bflag:$0x3] =	sbarrier.arrive $0xFFFF;
	s2 =	simm.s32 @!p0 $0x1C02  }
0x56: {  	[timem:s3], [sflag:s2] =	dma.local @!p0 [hbm:s0], s1  }
0x57: {  	s0 =	simm.s32 @!p0 $0x2  }
0x58: {  	_ =	swait.ge @!p0 [sflag:s0], s1  }
0x59: {  	s1 =	ssub.s32 @!p0 $0x0, s1;
	[sflag:s0] =	ssyncset.done @!p0 $0x0  }
0x5a: {  	[sflag:s0] =	ssyncadd.s32 @!p0 s1  }
0x5b: {  	[bflag:$0x3] =	sbarrier.arrive $0xFFFF  }
0x5c: {  	_ =	shalt  }

</sc_bundles>
